<compile_context>
chip_gen: v7x
topology: tpu7x:2x2x1
jax: 0.10.2.dev20260603
libtpu: 0.0.44.dev20260713+nightly
codegen_flags: <defaults>
</compile_context>

<pallas_src>
import jax
import jax.numpy as jnp
from jax import lax
from jax.experimental import pallas as pl
from jax.experimental.pallas import tpu as pltpu
from jax.experimental.pallas import tpu_sc as plsc


BATCH = 4
SEQ_LEN = 4096
D_MODEL = 1024

TC_ROWS = 3584
SC_ROWS = SEQ_LEN - TC_ROWS
TC_BLOCK_S = 1792

NUM_CORES = 2
NUM_SUBCORES = 16
NUM_WORKERS = NUM_CORES * NUM_SUBCORES
ROWS_PER_WORKER = SC_ROWS // NUM_WORKERS
CHUNK = 8
N_STEPS = ROWS_PER_WORKER // CHUNK
LANES = 16
NXB = 3
LOOKAHEAD = 2


def _sc_body(pos_hbm, x_hbm, out_hbm,
             tbuf0, tbuf1, xb0, xb1, xb2,
             sem_t0, sem_t1, si0, si1, si2, so0, so1, so2):
    c_ax = lax.axis_index("c")
    s_ax = lax.axis_index("s")
    wid = s_ax * NUM_CORES + c_ax
    base = wid * ROWS_PER_WORKER

    tbufs = [tbuf0, tbuf1]
    sems_t = [sem_t0, sem_t1]
    xbufs = [xb0, xb1, xb2]
    sems_in = [si0, si1, si2]
    sems_out = [so0, so1, so2]

    def srow(i):
        return base + i * CHUNK

    def t_issue(i):
        pltpu.async_copy(
            pos_hbm.at[pl.ds(TC_ROWS + srow(i), CHUNK)],
            tbufs[i % 2], sems_t[i % 2])

    def add_step(xb, tb):
        def b_body(b, _):
            def r_body(r, _):
                for u in range(D_MODEL // LANES):
                    off = u * LANES
                    v = tb[r, pl.ds(off, LANES)]
                    plsc.addupdate(xb.at[b, r, pl.ds(off, LANES)], v)
                return 0

            lax.fori_loop(0, CHUNK, r_body, 0)
            return 0

        lax.fori_loop(0, BATCH, b_body, 0)

    t_issue(0)
    t_issue(1)
    in_handles = [None] * NXB
    out_handles = [None] * NXB
    for j in range(min(LOOKAHEAD, N_STEPS)):
        in_handles[j % NXB] = pltpu.async_copy(
            x_hbm.at[:, pl.ds(TC_ROWS + srow(j), CHUNK), :],
            xbufs[j % NXB], sems_in[j % NXB])

    for i in range(N_STEPS):
        cur = i % NXB
        j = i + LOOKAHEAD
        if j < N_STEPS:
            slot = j % NXB
            if out_handles[slot] is not None:
                out_handles[slot].wait()
                out_handles[slot] = None
            in_handles[slot] = pltpu.async_copy(
                x_hbm.at[:, pl.ds(TC_ROWS + srow(j), CHUNK), :],
                xbufs[slot], sems_in[slot])
        pltpu.make_async_copy(
            pos_hbm.at[pl.ds(TC_ROWS + srow(i), CHUNK)],
            tbufs[i % 2], sems_t[i % 2]).wait()
        in_handles[cur].wait()
        add_step(xbufs[cur], tbufs[i % 2])
        if i + 2 < N_STEPS:
            t_issue(i + 2)
        out_handles[cur] = pltpu.async_copy(
            xbufs[cur], out_hbm.at[:, pl.ds(TC_ROWS + srow(i), CHUNK), :],
            sems_out[cur])

    for h in out_handles:
        if h is not None:
            h.wait()


def _tc_block_alias(x_ref, pos_ref, sc_ref, o_ref):
    del sc_ref
    o_ref[...] = x_ref[...] + pos_ref[...][None]


def kernel(x, pos_table):
    mesh = plsc.VectorSubcoreMesh(core_axis_name="c", subcore_axis_name="s")
    sc_full = pl.kernel(
        _sc_body,
        out_type=jax.ShapeDtypeStruct((BATCH, SEQ_LEN, D_MODEL), x.dtype),
        mesh=mesh,
        scratch_types=(
            [pltpu.VMEM((CHUNK, D_MODEL), jnp.float32)] * 2
            + [pltpu.VMEM((BATCH, CHUNK, D_MODEL), jnp.float32)] * NXB
            + [pltpu.SemaphoreType.DMA] * 8
        ),
    )(pos_table, x)

    return pl.pallas_call(
        _tc_block_alias,
        grid=(TC_ROWS // TC_BLOCK_S, BATCH),
        in_specs=[
            pl.BlockSpec((1, TC_BLOCK_S, D_MODEL), lambda s, b: (b, s, 0)),
            pl.BlockSpec((TC_BLOCK_S, D_MODEL), lambda s, b: (s, 0)),
            pl.BlockSpec(memory_space=pl.ANY),
        ],
        out_specs=pl.BlockSpec((1, TC_BLOCK_S, D_MODEL), lambda s, b: (b, s, 0)),
        out_shape=jax.ShapeDtypeStruct((BATCH, SEQ_LEN, D_MODEL), x.dtype),
        input_output_aliases={2: 0},
    )(x, pos_table, sc_full)

# --- scband reference (transcript-rebuilt; emitter-appended) ---
"""Pipeline reference for scband-learned-position-encoding-14096082666140 (READ-ONLY COPY).

The authoritative reference and input builder live on the scoring server;
editing this copy changes nothing except your own understanding.
"""

import jax, jax.numpy as jnp
import numpy as np

D_MODEL = 1024
MAX_LEN = 4096
BATCH = 4
SEQ_LEN = 4096

def setup_inputs(seed: int = 0) -> dict:
    key = jax.random.key(seed)
    k1, k2 = jax.random.split(key)
    x = jax.random.normal(k1, (BATCH, SEQ_LEN, D_MODEL), dtype=jnp.float32)
    # learned position embedding table (nn.Embedding weight), default init ~ N(0,1)
    pos_table = jax.random.normal(k2, (MAX_LEN, D_MODEL), dtype=jnp.float32)
    return {"x": x, "pos_table": pos_table}

def reference(x, pos_table):
    batch_size, seq_len, _ = x.shape
    position_ids = jnp.arange(seq_len, dtype=jnp.int32)
    position_ids = jnp.broadcast_to(position_ids[None, :], (batch_size, seq_len))
    position_embeds = jnp.take(pos_table, position_ids, axis=0)
    return x + position_embeds

if __name__ == "__main__":
    import jax
    _d = setup_inputs()
    print(jax.jit(kernel)(*tuple(_d.values())))

</pallas_src>

<mosaic_0001>
#map = affine_map<(d0, d1) -> (0, 0)>
#map1 = affine_map<(d0, d1) -> (0, 0, 0)>
module attributes {stable_mosaic.version = 14 : i64} {
  func.func @_sc_body(%arg0: i32, %arg1: i32, %arg2: memref<4096x1024xf32, #tpu.memory_space<hbm>>, %arg3: memref<4x4096x1024xf32, #tpu.memory_space<hbm>>, %arg4: memref<4x4096x1024xf32, #tpu.memory_space<hbm>>, %arg5: memref<8x1024xf32, #tpu.memory_space<vmem>>, %arg6: memref<8x1024xf32, #tpu.memory_space<vmem>>, %arg7: memref<4x8x1024xf32, #tpu.memory_space<vmem>>, %arg8: memref<4x8x1024xf32, #tpu.memory_space<vmem>>, %arg9: memref<4x8x1024xf32, #tpu.memory_space<vmem>>, %arg10: memref<!tpu.dma_semaphore, #tpu.memory_space<semaphore_mem>>, %arg11: memref<!tpu.dma_semaphore, #tpu.memory_space<semaphore_mem>>, %arg12: memref<!tpu.dma_semaphore, #tpu.memory_space<semaphore_mem>>, %arg13: memref<!tpu.dma_semaphore, #tpu.memory_space<semaphore_mem>>, %arg14: memref<!tpu.dma_semaphore, #tpu.memory_space<semaphore_mem>>, %arg15: memref<!tpu.dma_semaphore, #tpu.memory_space<semaphore_mem>>, %arg16: memref<!tpu.dma_semaphore, #tpu.memory_space<semaphore_mem>>, %arg17: memref<!tpu.dma_semaphore, #tpu.memory_space<semaphore_mem>>) attributes {dimension_semantics = [#tpu.dimension_semantics<core_parallel>, #tpu.dimension_semantics<subcore_parallel>], iteration_bounds = array<i64: 2, 16>, scalar_prefetch = 0 : i64, scratch_operands = 13 : i64, tpu.core_type = #tpu.core_type<sc_vector_subcore>, window_params = [{transform_indices = #map}, {transform_indices = #map1}, {transform_indices = #map1}]} {
    %mul3A = arith.constant 2 : i32
    %mul3A_0 = arith.muli %arg1, %mul3A : i32
    %add3A = arith.addi %mul3A_0, %arg0 : i32
    %mul3A_1 = arith.constant 16 : i32
    %mul3A_2 = arith.muli %add3A, %mul3A_1 : i32
    %add3A_3 = arith.constant 0 : i32
    %add3A_4 = arith.addi %mul3A_2, %add3A_3 : i32
    %add3A_5 = arith.constant 3584 : i32
    %add3A_6 = arith.addi %add3A_5, %add3A_4 : i32
    %dma_start3A = arith.constant 0 : i32
    %dma_start3A_7 = tpu.memref_slice %arg2[%add3A_6, %dma_start3A] : memref<4096x1024xf32, #tpu.memory_space<hbm>> -> memref<8x1024xf32, #tpu.memory_space<hbm>>
    %dma_start3A_8 = arith.constant 0 : i32
    %dma_start3A_9 = tpu.memref_slice %arg2[%add3A_6, %dma_start3A_8] : memref<4096x1024xf32, #tpu.memory_space<hbm>> -> memref<8x1024xf32, #tpu.memory_space<hbm>>
    tpu.enqueue_dma source(%dma_start3A_9 : memref<8x1024xf32, #tpu.memory_space<hbm>>) target(%arg5 : memref<8x1024xf32, #tpu.memory_space<vmem>>) target_semaphore(%arg10 : memref<!tpu.dma_semaphore, #tpu.memory_space<semaphore_mem>>)
    %add3A_10 = arith.constant 8 : i32
    %add3A_11 = arith.addi %mul3A_2, %add3A_10 : i32
    %add3A_12 = arith.constant 3584 : i32
    %add3A_13 = arith.addi %add3A_12, %add3A_11 : i32
    %dma_start3A_14 = arith.constant 0 : i32
    %dma_start3A_15 = tpu.memref_slice %arg2[%add3A_13, %dma_start3A_14] : memref<4096x1024xf32, #tpu.memory_space<hbm>> -> memref<8x1024xf32, #tpu.memory_space<hbm>>
    %dma_start3A_16 = arith.constant 0 : i32
    %dma_start3A_17 = tpu.memref_slice %arg2[%add3A_13, %dma_start3A_16] : memref<4096x1024xf32, #tpu.memory_space<hbm>> -> memref<8x1024xf32, #tpu.memory_space<hbm>>
    tpu.enqueue_dma source(%dma_start3A_17 : memref<8x1024xf32, #tpu.memory_space<hbm>>) target(%arg6 : memref<8x1024xf32, #tpu.memory_space<vmem>>) target_semaphore(%arg11 : memref<!tpu.dma_semaphore, #tpu.memory_space<semaphore_mem>>)
    %add3A_18 = arith.constant 0 : i32
    %add3A_19 = arith.addi %mul3A_2, %add3A_18 : i32
    %add3A_20 = arith.constant 3584 : i32
    %add3A_21 = arith.addi %add3A_20, %add3A_19 : i32
    %dma_start3A_22 = arith.constant 0 : i32
    %dma_start3A_23 = arith.constant 0 : i32
    %dma_start3A_24 = tpu.memref_slice %arg3[%dma_start3A_22, %add3A_21, %dma_start3A_23] : memref<4x4096x1024xf32, #tpu.memory_space<hbm>> -> memref<4x8x1024xf32, #tpu.memory_space<hbm>>
    %dma_start3A_25 = arith.constant 0 : i32
    %dma_start3A_26 = arith.constant 0 : i32
    %dma_start3A_27 = tpu.memref_slice %arg3[%dma_start3A_25, %add3A_21, %dma_start3A_26] : memref<4x4096x1024xf32, #tpu.memory_space<hbm>> -> memref<4x8x1024xf32, #tpu.memory_space<hbm>>
    tpu.enqueue_dma source(%dma_start3A_27 : memref<4x8x1024xf32, #tpu.memory_space<hbm>>) target(%arg7 : memref<4x8x1024xf32, #tpu.memory_space<vmem>>) target_semaphore(%arg12 : memref<!tpu.dma_semaphore, #tpu.memory_space<semaphore_mem>>)
    %add3A_28 = arith.constant 8 : i32
    %add3A_29 = arith.addi %mul3A_2, %add3A_28 : i32
    %add3A_30 = arith.constant 3584 : i32
    %add3A_31 = arith.addi %add3A_30, %add3A_29 : i32
    %dma_start3A_32 = arith.constant 0 : i32
    %dma_start3A_33 = arith.constant 0 : i32
    %dma_start3A_34 = tpu.memref_slice %arg3[%dma_start3A_32, %add3A_31, %dma_start3A_33] : memref<4x4096x1024xf32, #tpu.memory_space<hbm>> -> memref<4x8x1024xf32, #tpu.memory_space<hbm>>
    %dma_start3A_35 = arith.constant 0 : i32
    %dma_start3A_36 = arith.constant 0 : i32
    %dma_start3A_37 = tpu.memref_slice %arg3[%dma_start3A_35, %add3A_31, %dma_start3A_36] : memref<4x4096x1024xf32, #tpu.memory_space<hbm>> -> memref<4x8x1024xf32, #tpu.memory_space<hbm>>
    tpu.enqueue_dma source(%dma_start3A_37 : memref<4x8x1024xf32, #tpu.memory_space<hbm>>) target(%arg8 : memref<4x8x1024xf32, #tpu.memory_space<vmem>>) target_semaphore(%arg13 : memref<!tpu.dma_semaphore, #tpu.memory_space<semaphore_mem>>)
    %add3A_38 = arith.constant 0 : i32
    %add3A_39 = arith.addi %mul3A_2, %add3A_38 : i32
    %add3A_40 = arith.constant 3584 : i32
    %add3A_41 = arith.addi %add3A_40, %add3A_39 : i32
    %dma_wait3A = arith.constant 0 : i32
    %dma_wait3A_42 = tpu.memref_slice %arg2[%add3A_41, %dma_wait3A] : memref<4096x1024xf32, #tpu.memory_space<hbm>> -> memref<8x1024xf32, #tpu.memory_space<hbm>>
    %dma_wait3A_43 = arith.constant 0 : i32
    %dma_wait3A_44 = tpu.memref_slice %arg2[%add3A_41, %dma_wait3A_43] : memref<4096x1024xf32, #tpu.memory_space<hbm>> -> memref<8x1024xf32, #tpu.memory_space<hbm>>
    tpu.wait_dma2 semaphore(%arg10 : memref<!tpu.dma_semaphore, #tpu.memory_space<semaphore_mem>>) src(%dma_wait3A_44 : memref<8x1024xf32, #tpu.memory_space<hbm>>) dst(%arg5 : memref<8x1024xf32, #tpu.memory_space<vmem>>)
    %dma_wait3A_45 = arith.constant 0 : i32
    %dma_wait3A_46 = arith.constant 0 : i32
    %dma_wait3A_47 = tpu.memref_slice %arg3[%dma_wait3A_45, %add3A_21, %dma_wait3A_46] : memref<4x4096x1024xf32, #tpu.memory_space<hbm>> -> memref<4x8x1024xf32, #tpu.memory_space<hbm>>
    %dma_wait3A_48 = arith.constant 0 : i32
    %dma_wait3A_49 = arith.constant 0 : i32
    %dma_wait3A_50 = tpu.memref_slice %arg3[%dma_wait3A_48, %add3A_21, %dma_wait3A_49] : memref<4x4096x1024xf32, #tpu.memory_space<hbm>> -> memref<4x8x1024xf32, #tpu.memory_space<hbm>>
    tpu.wait_dma2 semaphore(%arg12 : memref<!tpu.dma_semaphore, #tpu.memory_space<semaphore_mem>>) src(%dma_wait3A_50 : memref<4x8x1024xf32, #tpu.memory_space<hbm>>) dst(%arg7 : memref<4x8x1024xf32, #tpu.memory_space<vmem>>)
    %scan3A = arith.constant 0 : i32
    %scan3A_51 = arith.constant 0 : i32
    %scan3A_52 = arith.constant 4 : i32
    %scan3A_53 = arith.addi %scan3A_51, %scan3A_52 : i32
    %scan3A_54 = arith.constant 1 : i32
    %scan3A_55 = scf.for %scan3A_110 = %scan3A_51 to %scan3A_53 step %scan3A_54 iter_args(%scan3A_111 = %scan3A) -> (i32)  : i32 {
      %scan3A_112 = arith.constant 0 : i32
      %scan3A_113 = arith.constant 0 : i32
      %scan3A_114 = arith.constant 8 : i32
      %scan3A_115 = arith.addi %scan3A_113, %scan3A_114 : i32
      %scan3A_116 = arith.constant 1 : i32
      %scan3A_117 = scf.for %scan3A_120 = %scan3A_113 to %scan3A_115 step %scan3A_116 iter_args(%scan3A_121 = %scan3A_112) -> (i32)  : i32 {
        %get3A = arith.index_cast %scan3A_120 : i32 to index
        %get3A_122 = arith.constant 0 : index
        %get3A_123 = tpu.vector_load %arg5[%get3A, %get3A_122] {strides = array<i32>} : memref<8x1024xf32, #tpu.memory_space<vmem>>, vector<1x16xf32>,
        %get3A_124 = vector.shape_cast %get3A_123 : vector<1x16xf32> to vector<16xf32>
        %swap3A = arith.index_cast %scan3A_110 : i32 to index
        %swap3A_125 = arith.index_cast %scan3A_120 : i32 to index
        %swap3A_126 = arith.constant 0 : index
        %swap3A_127 = tpu.vector_load %arg7[%swap3A, %swap3A_125, %swap3A_126] {strides = array<i32>} : memref<4x8x1024xf32, #tpu.memory_space<vmem>>, vector<1x1x16xf32>,
        %swap3A_128 = vector.shape_cast %swap3A_127 : vector<1x1x16xf32> to vector<16xf32>
        %swap3A_129 = vector.shape_cast %get3A_124 : vector<16xf32> to vector<1x1x16xf32>
        tpu.vector_store %arg7[%swap3A, %swap3A_125, %swap3A_126], %swap3A_129 {add = true, strides = array<i32>} : memref<4x8x1024xf32, #tpu.memory_space<vmem>>, vector<1x1x16xf32>,
        %get3A_130 = arith.index_cast %scan3A_120 : i32 to index
        %get3A_131 = arith.constant 16 : index
        %get3A_132 = tpu.vector_load %arg5[%get3A_130, %get3A_131] {strides = array<i32>} : memref<8x1024xf32, #tpu.memory_space<vmem>>, vector<1x16xf32>,
        %get3A_133 = vector.shape_cast %get3A_132 : vector<1x16xf32> to vector<16xf32>
        %swap3A_134 = arith.index_cast %scan3A_110 : i32 to index
        %swap3A_135 = arith.index_cast %scan3A_120 : i32 to index
        %swap3A_136 = arith.constant 16 : index
        %swap3A_137 = tpu.vector_load %arg7[%swap3A_134, %swap3A_135, %swap3A_136] {strides = array<i32>} : memref<4x8x1024xf32, #tpu.memory_space<vmem>>, vector<1x1x16xf32>,
        %swap3A_138 = vector.shape_cast %swap3A_137 : vector<1x1x16xf32> to vector<16xf32>
        %swap3A_139 = vector.shape_cast %get3A_133 : vector<16xf32> to vector<1x1x16xf32>
        tpu.vector_store %arg7[%swap3A_134, %swap3A_135, %swap3A_136], %swap3A_139 {add = true, strides = array<i32>} : memref<4x8x1024xf32, #tpu.memory_space<vmem>>, vector<1x1x16xf32>,
        %get3A_140 = arith.index_cast %scan3A_120 : i32 to index
        %get3A_141 = arith.constant 32 : index
        %get3A_142 = tpu.vector_load %arg5[%get3A_140, %get3A_141] {strides = array<i32>} : memref<8x1024xf32, #tpu.memory_space<vmem>>, vector<1x16xf32>,
        %get3A_143 = vector.shape_cast %get3A_142 : vector<1x16xf32> to vector<16xf32>
        %swap3A_144 = arith.index_cast %scan3A_110 : i32 to index
        %swap3A_145 = arith.index_cast %scan3A_120 : i32 to index
        %swap3A_146 = arith.constant 32 : index
        %swap3A_147 = tpu.vector_load %arg7[%swap3A_144, %swap3A_145, %swap3A_146] {strides = array<i32>} : memref<4x8x1024xf32, #tpu.memory_space<vmem>>, vector<1x1x16xf32>,
        %swap3A_148 = vector.shape_cast %swap3A_147 : vector<1x1x16xf32> to vector<16xf32>
        %swap3A_149 = vector.shape_cast %get3A_143 : vector<16xf32> to vector<1x1x16xf32>
        tpu.vector_store %arg7[%swap3A_144, %swap3A_145, %swap3A_146], %swap3A_149 {add = true, strides = array<i32>} : memref<4x8x1024xf32, #tpu.memory_space<vmem>>, vector<1x1x16xf32>,
        %get3A_150 = arith.index_cast %scan3A_120 : i32 to index
        %get3A_151 = arith.constant 48 : index
        %get3A_152 = tpu.vector_load %arg5[%get3A_150, %get3A_151] {strides = array<i32>} : memref<8x1024xf32, #tpu.memory_space<vmem>>, vector<1x16xf32>,
        %get3A_153 = vector.shape_cast %get3A_152 : vector<1x16xf32> to vector<16xf32>
        %swap3A_154 = arith.index_cast %scan3A_110 : i32 to index
        %swap3A_155 = arith.index_cast %scan3A_120 : i32 to index
        %swap3A_156 = arith.constant 48 : index
        %swap3A_157 = tpu.vector_load %arg7[%swap3A_154, %swap3A_155, %swap3A_156] {strides = array<i32>} : memref<4x8x1024xf32, #tpu.memory_space<vmem>>, vector<1x1x16xf32>,
        %swap3A_158 = vector.shape_cast %swap3A_157 : vector<1x1x16xf32> to vector<16xf32>
        %swap3A_159 = vector.shape_cast %get3A_153 : vector<16xf32> to vector<1x1x16xf32>
        tpu.vector_store %arg7[%swap3A_154, %swap3A_155, %swap3A_156], %swap3A_159 {add = true, strides = array<i32>} : memref<4x8x1024xf32, #tpu.memory_space<vmem>>, vector<1x1x16xf32>,
        %get3A_160 = arith.index_cast %scan3A_120 : i32 to index
        %get3A_161 = arith.constant 64 : index
        %get3A_162 = tpu.vector_load %arg5[%get3A_160, %get3A_161] {strides = array<i32>} : memref<8x1024xf32, #tpu.memory_space<vmem>>, vector<1x16xf32>,
        %get3A_163 = vector.shape_cast %get3A_162 : vector<1x16xf32> to vector<16xf32>
        %swap3A_164 = arith.index_cast %scan3A_110 : i32 to index
        %swap3A_165 = arith.index_cast %scan3A_120 : i32 to index
        %swap3A_166 = arith.constant 64 : index
        %swap3A_167 = tpu.vector_load %arg7[%swap3A_164, %swap3A_165, %swap3A_166] {strides = array<i32>} : memref<4x8x1024xf32, #tpu.memory_space<vmem>>, vector<1x1x16xf32>,
        %swap3A_168 = vector.shape_cast %swap3A_167 : vector<1x1x16xf32> to vector<16xf32>
        %swap3A_169 = vector.shape_cast %get3A_163 : vector<16xf32> to vector<1x1x16xf32>
        tpu.vector_store %arg7[%swap3A_164, %swap3A_165, %swap3A_166], %swap3A_169 {add = true, strides = array<i32>} : memref<4x8x1024xf32, #tpu.memory_space<vmem>>, vector<1x1x16xf32>,
        %get3A_170 = arith.index_cast %scan3A_120 : i32 to index
        %get3A_171 = arith.constant 80 : index
        %get3A_172 = tpu.vector_load %arg5[%get3A_170, %get3A_171] {strides = array<i32>} : memref<8x1024xf32, #tpu.memory_space<vmem>>, vector<1x16xf32>,
        %get3A_173 = vector.shape_cast %get3A_172 : vector<1x16xf32> to vector<16xf32>
        %swap3A_174 = arith.index_cast %scan3A_110 : i32 to index
        %swap3A_175 = arith.index_cast %scan3A_120 : i32 to index
        %swap3A_176 = arith.constant 80 : index
        %swap3A_177 = tpu.vector_load %arg7[%swap3A_174, %swap3A_175, %swap3A_176] {strides = array<i32>} : memref<4x8x1024xf32, #tpu.memory_space<vmem>>, vector<1x1x16xf32>,
        %swap3A_178 = vector.shape_cast %swap3A_177 : vector<1x1x16xf32> to vector<16xf32>
        %swap3A_179 = vector.shape_cast %get3A_173 : vector<16xf32> to vector<1x1x16xf32>
        tpu.vector_store %arg7[%swap3A_174, %swap3A_175, %swap3A_176], %swap3A_179 {add = true, strides = array<i32>} : memref<4x8x1024xf32, #tpu.memory_space<vmem>>, vector<1x1x16xf32>,
        %get3A_180 = arith.index_cast %scan3A_120 : i32 to index
        %get3A_181 = arith.constant 96 : index
        %get3A_182 = tpu.vector_load %arg5[%get3A_180, %get3A_181] {strides = array<i32>} : memref<8x1024xf32, #tpu.memory_space<vmem>>, vector<1x16xf32>,
        %get3A_183 = vector.shape_cast %get3A_182 : vector<1x16xf32> to vector<16xf32>
        %swap3A_184 = arith.index_cast %scan3A_110 : i32 to index
        %swap3A_185 = arith.index_cast %scan3A_120 : i32 to index
        %swap3A_186 = arith.constant 96 : index
        %swap3A_187 = tpu.vector_load %arg7[%swap3A_184, %swap3A_185, %swap3A_186] {strides = array<i32>} : memref<4x8x1024xf32, #tpu.memory_space<vmem>>, vector<1x1x16xf32>,
        %swap3A_188 = vector.shape_cast %swap3A_187 : vector<1x1x16xf32> to vector<16xf32>
        %swap3A_189 = vector.shape_cast %get3A_183 : vector<16xf32> to vector<1x1x16xf32>
        tpu.vector_store %arg7[%swap3A_184, %swap3A_185, %swap3A_186], %swap3A_189 {add = true, strides = array<i32>} : memref<4x8x1024xf32, #tpu.memory_space<vmem>>, vector<1x1x16xf32>,
        %get3A_190 = arith.index_cast %scan3A_120 : i32 to index
        %get3A_191 = arith.constant 112 : index
        %get3A_192 = tpu.vector_load %arg5[%get3A_190, %get3A_191] {strides = array<i32>} : memref<8x1024xf32, #tpu.memory_space<vmem>>, vector<1x16xf32>,
        %get3A_193 = vector.shape_cast %get3A_192 : vector<1x16xf32> to vector<16xf32>
        %swap3A_194 = arith.index_cast %scan3A_110 : i32 to index
        %swap3A_195 = arith.index_cast %scan3A_120 : i32 to index
        %swap3A_196 = arith.constant 112 : index
        %swap3A_197 = tpu.vector_load %arg7[%swap3A_194, %swap3A_195, %swap3A_196] {strides = array<i32>} : memref<4x8x1024xf32, #tpu.memory_space<vmem>>, vector<1x1x16xf32>,
        %swap3A_198 = vector.shape_cast %swap3A_197 : vector<1x1x16xf32> to vector<16xf32>
        %swap3A_199 = vector.shape_cast %get3A_193 : vector<16xf32> to vector<1x1x16xf32>
        tpu.vector_store %arg7[%swap3A_194, %swap3A_195, %swap3A_196], %swap3A_199 {add = true, strides = array<i32>} : memref<4x8x1024xf32, #tpu.memory_space<vmem>>, vector<1x1x16xf32>,
        %get3A_200 = arith.index_cast %scan3A_120 : i32 to index
        %get3A_201 = arith.constant 128 : index
        %get3A_202 = tpu.vector_load %arg5[%get3A_200, %get3A_201] {strides = array<i32>} : memref<8x1024xf32, #tpu.memory_space<vmem>>, vector<1x16xf32>,
        %get3A_203 = vector.shape_cast %get3A_202 : vector<1x16xf32> to vector<16xf32>
        %swap3A_204 = arith.index_cast %scan3A_110 : i32 to index
        %swap3A_205 = arith.index_cast %scan3A_120 : i32 to index
        %swap3A_206 = arith.constant 128 : index
        %swap3A_207 = tpu.vector_load %arg7[%swap3A_204, %swap3A_205, %swap3A_206] {strides = array<i32>} : memref<4x8x1024xf32, #tpu.memory_space<vmem>>, vector<1x1x16xf32>,
        %swap3A_208 = vector.shape_cast %swap3A_207 : vector<1x1x16xf32> to vector<16xf32>
        %swap3A_209 = vector.shape_cast %get3A_203 : vector<16xf32> to vector<1x1x16xf32>
        tpu.vector_store %arg7[%swap3A_204, %swap3A_205, %swap3A_206], %swap3A_209 {add = true, strides = array<i32>} : memref<4x8x1024xf32, #tpu.memory_space<vmem>>, vector<1x1x16xf32>,
        %get3A_210 = arith.index_cast %scan3A_120 : i32 to index
        %get3A_211 = arith.constant 144 : index
        %get3A_212 = tpu.vector_load %arg5[%get3A_210, %get3A_211] {strides = array<i32>} : memref<8x1024xf32, #tpu.memory_space<vmem>>, vector<1x16xf32>,
        %get3A_213 = vector.shape_cast %get3A_212 : vector<1x16xf32> to vector<16xf32>
        %swap3A_214 = arith.index_cast %scan3A_110 : i32 to index
        %swap3A_215 = arith.index_cast %scan3A_120 : i32 to index
        %swap3A_216 = arith.constant 144 : index
        %swap3A_217 = tpu.vector_load %arg7[%swap3A_214, %swap3A_215, %swap3A_216] {strides = array<i32>} : memref<4x8x1024xf32, #tpu.memory_space<vmem>>, vector<1x1x16xf32>,
        %swap3A_218 = vector.shape_cast %swap3A_217 : vector<1x1x16xf32> to vector<16xf32>
        %swap3A_219 = vector.shape_cast %get3A_213 : vector<16xf32> to vector<1x1x16xf32>
        tpu.vector_store %arg7[%swap3A_214, %swap3A_215, %swap3A_216], %swap3A_219 {add = true, strides = array<i32>} : memref<4x8x1024xf32, #tpu.memory_space<vmem>>, vector<1x1x16xf32>,
        %get3A_220 = arith.index_cast %scan3A_120 : i32 to index
        %get3A_221 = arith.constant 160 : index
        %get3A_222 = tpu.vector_load %arg5[%get3A_220, %get3A_221] {strides = array<i32>} : memref<8x1024xf32, #tpu.memory_space<vmem>>, vector<1x16xf32>,
        %get3A_223 = vector.shape_cast %get3A_222 : vector<1x16xf32> to vector<16xf32>
        %swap3A_224 = arith.index_cast %scan3A_110 : i32 to index
        %swap3A_225 = arith.index_cast %scan3A_120 : i32 to index
        %swap3A_226 = arith.constant 160 : index
        %swap3A_227 = tpu.vector_load %arg7[%swap3A_224, %swap3A_225, %swap3A_226] {strides = array<i32>} : memref<4x8x1024xf32, #tpu.memory_space<vmem>>, vector<1x1x16xf32>,
        %swap3A_228 = vector.shape_cast %swap3A_227 : vector<1x1x16xf32> to vector<16xf32>
        %swap3A_229 = vector.shape_cast %get3A_223 : vector<16xf32> to vector<1x1x16xf32>
        tpu.vector_store %arg7[%swap3A_224, %swap3A_225, %swap3A_226], %swap3A_229 {add = true, strides = array<i32>} : memref<4x8x1024xf32, #tpu.memory_space<vmem>>, vector<1x1x16xf32>,
        %get3A_230 = arith.index_cast %scan3A_120 : i32 to index
        %get3A_231 = arith.constant 176 : index
        %get3A_232 = tpu.vector_load %arg5[%get3A_230, %get3A_231] {strides = array<i32>} : memref<8x1024xf32, #tpu.memory_space<vmem>>, vector<1x16xf32>,
        %get3A_233 = vector.shape_cast %get3A_232 : vector<1x16xf32> to vector<16xf32>
        %swap3A_234 = arith.index_cast %scan3A_110 : i32 to index
        %swap3A_235 = arith.index_cast %scan3A_120 : i32 to index
        %swap3A_236 = arith.constant 176 : index
        %swap3A_237 = tpu.vector_load %arg7[%swap3A_234, %swap3A_235, %swap3A_236] {strides = array<i32>} : memref<4x8x1024xf32, #tpu.memory_space<vmem>>, vector<1x1x16xf32>,
        %swap3A_238 = vector.shape_cast %swap3A_237 : vector<1x1x16xf32> to vector<16xf32>
        %swap3A_239 = vector.shape_cast %get3A_233 : vector<16xf32> to vector<1x1x16xf32>
        tpu.vector_store %arg7[%swap3A_234, %swap3A_235, %swap3A_236], %swap3A_239 {add = true, strides = array<i32>} : memref<4x8x1024xf32, #tpu.memory_space<vmem>>, vector<1x1x16xf32>,
        %get3A_240 = arith.index_cast %scan3A_120 : i32 to index
        %get3A_241 = arith.constant 192 : index
        %get3A_242 = tpu.vector_load %arg5[%get3A_240, %get3A_241] {strides = array<i32>} : memref<8x1024xf32, #tpu.memory_space<vmem>>, vector<1x16xf32>,
        %get3A_243 = vector.shape_cast %get3A_242 : vector<1x16xf32> to vector<16xf32>
        %swap3A_244 = arith.index_cast %scan3A_110 : i32 to index
        %swap3A_245 = arith.index_cast %scan3A_120 : i32 to index
        %swap3A_246 = arith.constant 192 : index
        %swap3A_247 = tpu.vector_load %arg7[%swap3A_244, %swap3A_245, %swap3A_246] {strides = array<i32>} : memref<4x8x1024xf32, #tpu.memory_space<vmem>>, vector<1x1x16xf32>,
        %swap3A_248 = vector.shape_cast %swap3A_247 : vector<1x1x16xf32> to vector<16xf32>
        %swap3A_249 = vector.shape_cast %get3A_243 : vector<16xf32> to vector<1x1x16xf32>
        tpu.vector_store %arg7[%swap3A_244, %swap3A_245, %swap3A_246], %swap3A_249 {add = true, strides = array<i32>} : memref<4x8x1024xf32, #tpu.memory_space<vmem>>, vector<1x1x16xf32>,
        %get3A_250 = arith.index_cast %scan3A_120 : i32 to index
        %get3A_251 = arith.constant 208 : index
        %get3A_252 = tpu.vector_load %arg5[%get3A_250, %get3A_251] {strides = array<i32>} : memref<8x1024xf32, #tpu.memory_space<vmem>>, vector<1x16xf32>,
        %get3A_253 = vector.shape_cast %get3A_252 : vector<1x16xf32> to vector<16xf32>
        %swap3A_254 = arith.index_cast %scan3A_110 : i32 to index
        %swap3A_255 = arith.index_cast %scan3A_120 : i32 to index
        %swap3A_256 = arith.constant 208 : index
        %swap3A_257 = tpu.vector_load %arg7[%swap3A_254, %swap3A_255, %swap3A_256] {strides = array<i32>} : memref<4x8x1024xf32, #tpu.memory_space<vmem>>, vector<1x1x16xf32>,
        %swap3A_258 = vector.shape_cast %swap3A_257 : vector<1x1x16xf32> to vector<16xf32>
        %swap3A_259 = vector.shape_cast %get3A_253 : vector<16xf32> to vector<1x1x16xf32>
        tpu.vector_store %arg7[%swap3A_254, %swap3A_255, %swap3A_256], %swap3A_259 {add = true, strides = array<i32>} : memref<4x8x1024xf32, #tpu.memory_space<vmem>>, vector<1x1x16xf32>,
        %get3A_260 = arith.index_cast %scan3A_120 : i32 to index
        %get3A_261 = arith.constant 224 : index
        %get3A_262 = tpu.vector_load %arg5[%get3A_260, %get3A_261] {strides = array<i32>} : memref<8x1024xf32, #tpu.memory_space<vmem>>, vector<1x16xf32>,
        %get3A_263 = vector.shape_cast %get3A_262 : vector<1x16xf32> to vector<16xf32>
        %swap3A_264 = arith.index_cast %scan3A_110 : i32 to index
        %swap3A_265 = arith.index_cast %scan3A_120 : i32 to index
        %swap3A_266 = arith.constant 224 : index
        %swap3A_267 = tpu.vector_load %arg7[%swap3A_264, %swap3A_265, %swap3A_266] {strides = array<i32>} : memref<4x8x1024xf32, #tpu.memory_space<vmem>>, vector<1x1x16xf32>,
        %swap3A_268 = vector.shape_cast %swap3A_267 : vector<1x1x16xf32> to vector<16xf32>
        %swap3A_269 = vector.shape_cast %get3A_263 : vector<16xf32> to vector<1x1x16xf32>
        tpu.vector_store %arg7[%swap3A_264, %swap3A_265, %swap3A_266], %swap3A_269 {add = true, strides = array<i32>} : memref<4x8x1024xf32, #tpu.memory_space<vmem>>, vector<1x1x16xf32>,
        %get3A_270 = arith.index_cast %scan3A_120 : i32 to index
        %get3A_271 = arith.constant 240 : index
        %get3A_272 = tpu.vector_load %arg5[%get3A_270, %get3A_271] {strides = array<i32>} : memref<8x1024xf32, #tpu.memory_space<vmem>>, vector<1x16xf32>,
        %get3A_273 = vector.shape_cast %get3A_272 : vector<1x16xf32> to vector<16xf32>
        %swap3A_274 = arith.index_cast %scan3A_110 : i32 to index
        %swap3A_275 = arith.index_cast %scan3A_120 : i32 to index
        %swap3A_276 = arith.constant 240 : index
        %swap3A_277 = tpu.vector_load %arg7[%swap3A_274, %swap3A_275, %swap3A_276] {strides = array<i32>} : memref<4x8x1024xf32, #tpu.memory_space<vmem>>, vector<1x1x16xf32>,
        %swap3A_278 = vector.shape_cast %swap3A_277 : vector<1x1x16xf32> to vector<16xf32>
        %swap3A_279 = vector.shape_cast %get3A_273 : vector<16xf32> to vector<1x1x16xf32>
        tpu.vector_store %arg7[%swap3A_274, %swap3A_275, %swap3A_276], %swap3A_279 {add = true, strides = array<i32>} : memref<4x8x1024xf32, #tpu.memory_space<vmem>>, vector<1x1x16xf32>,
        %get3A_280 = arith.index_cast %scan3A_120 : i32 to index
        %get3A_281 = arith.constant 256 : index
        %get3A_282 = tpu.vector_load %arg5[%get3A_280, %get3A_281] {strides = array<i32>} : memref<8x1024xf32, #tpu.memory_space<vmem>>, vector<1x16xf32>,
        %get3A_283 = vector.shape_cast %get3A_282 : vector<1x16xf32> to vector<16xf32>
        %swap3A_284 = arith.index_cast %scan3A_110 : i32 to index
        %swap3A_285 = arith.index_cast %scan3A_120 : i32 to index
        %swap3A_286 = arith.constant 256 : index
        %swap3A_287 = tpu.vector_load %arg7[%swap3A_284, %swap3A_285, %swap3A_286] {strides = array<i32>} : memref<4x8x1024xf32, #tpu.memory_space<vmem>>, vector<1x1x16xf32>,
        %swap3A_288 = vector.shape_cast %swap3A_287 : vector<1x1x16xf32> to vector<16xf32>
        %swap3A_289 = vector.shape_cast %get3A_283 : vector<16xf32> to vector<1x1x16xf32>
        tpu.vector_store %arg7[%swap3A_284, %swap3A_285, %swap3A_286], %swap3A_289 {add = true, strides = array<i32>} : memref<4x8x1024xf32, #tpu.memory_space<vmem>>, vector<1x1x16xf32>,
        %get3A_290 = arith.index_cast %scan3A_120 : i32 to index
        %get3A_291 = arith.constant 272 : index
        %get3A_292 = tpu.vector_load %arg5[%get3A_290, %get3A_291] {strides = array<i32>} : memref<8x1024xf32, #tpu.memory_space<vmem>>, vector<1x16xf32>,
        %get3A_293 = vector.shape_cast %get3A_292 : vector<1x16xf32> to vector<16xf32>
        %swap3A_294 = arith.index_cast %scan3A_110 : i32 to index
        %swap3A_295 = arith.index_cast %scan3A_120 : i32 to index
        %swap3A_296 = arith.constant 272 : index
        %swap3A_297 = tpu.vector_load %arg7[%swap3A_294, %swap3A_295, %swap3A_296] {strides = array<i32>} : memref<4x8x1024xf32, #tpu.memory_space<vmem>>, vector<1x1x16xf32>,
        %swap3A_298 = vector.shape_cast %swap3A_297 : vector<1x1x16xf32> to vector<16xf32>
        %swap3A_299 = vector.shape_cast %get3A_293 : vector<16xf32> to vector<1x1x16xf32>
        tpu.vector_store %arg7[%swap3A_294, %swap3A_295, %swap3A_296], %swap3A_299 {add = true, strides = array<i32>} : memref<4x8x1024xf32, #tpu.memory_space<vmem>>, vector<1x1x16xf32>,
        %get3A_300 = arith.index_cast %scan3A_120 : i32 to index
        %get3A_301 = arith.constant 288 : index
        %get3A_302 = tpu.vector_load %arg5[%get3A_300, %get3A_301] {strides = array<i32>} : memref<8x1024xf32, #tpu.memory_space<vmem>>, vector<1x16xf32>,
        %get3A_303 = vector.shape_cast %get3A_302 : vector<1x16xf32> to vector<16xf32>
        %swap3A_304 = arith.index_cast %scan3A_110 : i32 to index
        %swap3A_305 = arith.index_cast %scan3A_120 : i32 to index
        %swap3A_306 = arith.constant 288 : index
        %swap3A_307 = tpu.vector_load %arg7[%swap3A_304, %swap3A_305, %swap3A_306] {strides = array<i32>} : memref<4x8x1024xf32, #tpu.memory_space<vmem>>, vector<1x1x16xf32>,
        %swap3A_308 = vector.shape_cast %swap3A_307 : vector<1x1x16xf32> to vector<16xf32>
        %swap3A_309 = vector.shape_cast %get3A_303 : vector<16xf32> to vector<1x1x16xf32>
        tpu.vector_store %arg7[%swap3A_304, %swap3A_305, %swap3A_306], %swap3A_309 {add = true, strides = array<i32>} : memref<4x8x1024xf32, #tpu.memory_space<vmem>>, vector<1x1x16xf32>,
        %get3A_310 = arith.index_cast %scan3A_120 : i32 to index
        %get3A_311 = arith.constant 304 : index
        %get3A_312 = tpu.vector_load %arg5[%get3A_310, %get3A_311] {strides = array<i32>} : memref<8x1024xf32, #tpu.memory_space<vmem>>, vector<1x16xf32>,
        %get3A_313 = vector.shape_cast %get3A_312 : vector<1x16xf32> to vector<16xf32>
        %swap3A_314 = arith.index_cast %scan3A_110 : i32 to index
        %swap3A_315 = arith.index_cast %scan3A_120 : i32 to index
        %swap3A_316 = arith.constant 304 : index
        %swap3A_317 = tpu.vector_load %arg7[%swap3A_314, %swap3A_315, %swap3A_316] {strides = array<i32>} : memref<4x8x1024xf32, #tpu.memory_space<vmem>>, vector<1x1x16xf32>,
        %swap3A_318 = vector.shape_cast %swap3A_317 : vector<1x1x16xf32> to vector<16xf32>
        %swap3A_319 = vector.shape_cast %get3A_313 : vector<16xf32> to vector<1x1x16xf32>
        tpu.vector_store %arg7[%swap3A_314, %swap3A_315, %swap3A_316], %swap3A_319 {add = true, strides = array<i32>} : memref<4x8x1024xf32, #tpu.memory_space<vmem>>, vector<1x1x16xf32>,
        %get3A_320 = arith.index_cast %scan3A_120 : i32 to index
        %get3A_321 = arith.constant 320 : index
        %get3A_322 = tpu.vector_load %arg5[%get3A_320, %get3A_321] {strides = array<i32>} : memref<8x1024xf32, #tpu.memory_space<vmem>>, vector<1x16xf32>,
        %get3A_323 = vector.shape_cast %get3A_322 : vector<1x16xf32> to vector<16xf32>
        %swap3A_324 = arith.index_cast %scan3A_110 : i32 to index
        %swap3A_325 = arith.index_cast %scan3A_120 : i32 to index
        %swap3A_326 = arith.constant 320 : index
        %swap3A_327 = tpu.vector_load %arg7[%swap3A_324, %swap3A_325, %swap3A_326] {strides = array<i32>} : memref<4x8x1024xf32, #tpu.memory_space<vmem>>, vector<1x1x16xf32>,
        %swap3A_328 = vector.shape_cast %swap3A_327 : vector<1x1x16xf32> to vector<16xf32>
        %swap3A_329 = vector.shape_cast %get3A_323 : vector<16xf32> to vector<1x1x16xf32>
        tpu.vector_store %arg7[%swap3A_324, %swap3A_325, %swap3A_326], %swap3A_329 {add = true, strides = array<i32>} : memref<4x8x1024xf32, #tpu.memory_space<vmem>>, vector<1x1x16xf32>,
        %get3A_330 = arith.index_cast %scan3A_120 : i32 to index
        %get3A_331 = arith.constant 336 : index
        %get3A_332 = tpu.vector_load %arg5[%get3A_330, %get3A_331] {strides = array<i32>} : memref<8x1024xf32, #tpu.memory_space<vmem>>, vector<1x16xf32>,
        %get3A_333 = vector.shape_cast %get3A_332 : vector<1x16xf32> to vector<16xf32>
        %swap3A_334 = arith.index_cast %scan3A_110 : i32 to index
        %swap3A_335 = arith.index_cast %scan3A_120 : i32 to index
        %swap3A_336 = arith.constant 336 : index
        %swap3A_337 = tpu.vector_load %arg7[%swap3A_334, %swap3A_335, %swap3A_336] {strides = array<i32>} : memref<4x8x1024xf32, #tpu.memory_space<vmem>>, vector<1x1x16xf32>,
        %swap3A_338 = vector.shape_cast %swap3A_337 : vector<1x1x16xf32> to vector<16xf32>
        %swap3A_339 = vector.shape_cast %get3A_333 : vector<16xf32> to vector<1x1x16xf32>
        tpu.vector_store %arg7[%swap3A_334, %swap3A_335, %swap3A_336], %swap3A_339 {add = true, strides = array<i32>} : memref<4x8x1024xf32, #tpu.memory_space<vmem>>, vector<1x1x16xf32>,
        %get3A_340 = arith.index_cast %scan3A_120 : i32 to index
        %get3A_341 = arith.constant 352 : index
        %get3A_342 = tpu.vector_load %arg5[%get3A_340, %get3A_341] {strides = array<i32>} : memref<8x1024xf32, #tpu.memory_space<vmem>>, vector<1x16xf32>,
        %get3A_343 = vector.shape_cast %get3A_342 : vector<1x16xf32> to vector<16xf32>
        %swap3A_344 = arith.index_cast %scan3A_110 : i32 to index
        %swap3A_345 = arith.index_cast %scan3A_120 : i32 to index
        %swap3A_346 = arith.constant 352 : index
        %swap3A_347 = tpu.vector_load %arg7[%swap3A_344, %swap3A_345, %swap3A_346] {strides = array<i32>} : memref<4x8x1024xf32, #tpu.memory_space<vmem>>, vector<1x1x16xf32>,
        %swap3A_348 = vector.shape_cast %swap3A_347 : vector<1x1x16xf32> to vector<16xf32>
        %swap3A_349 = vector.shape_cast %get3A_343 : vector<16xf32> to vector<1x1x16xf32>
        tpu.vector_store %arg7[%swap3A_344, %swap3A_345, %swap3A_346], %swap3A_349 {add = true, strides = array<i32>} : memref<4x8x1024xf32, #tpu.memory_space<vmem>>, vector<1x1x16xf32>,
        %get3A_350 = arith.index_cast %scan3A_120 : i32 to index
        %get3A_351 = arith.constant 368 : index
        %get3A_352 = tpu.vector_load %arg5[%get3A_350, %get3A_351] {strides = array<i32>} : memref<8x1024xf32, #tpu.memory_space<vmem>>, vector<1x16xf32>,
        %get3A_353 = vector.shape_cast %get3A_352 : vector<1x16xf32> to vector<16xf32>
        %swap3A_354 = arith.index_cast %scan3A_110 : i32 to index
        %swap3A_355 = arith.index_cast %scan3A_120 : i32 to index
        %swap3A_356 = arith.constant 368 : index
        %swap3A_357 = tpu.vector_load %arg7[%swap3A_354, %swap3A_355, %swap3A_356] {strides = array<i32>} : memref<4x8x1024xf32, #tpu.memory_space<vmem>>, vector<1x1x16xf32>,
        %swap3A_358 = vector.shape_cast %swap3A_357 : vector<1x1x16xf32> to vector<16xf32>
        %swap3A_359 = vector.shape_cast %get3A_353 : vector<16xf32> to vector<1x1x16xf32>
        tpu.vector_store %arg7[%swap3A_354, %swap3A_355, %swap3A_356], %swap3A_359 {add = true, strides = array<i32>} : memref<4x8x1024xf32, #tpu.memory_space<vmem>>, vector<1x1x16xf32>,
        %get3A_360 = arith.index_cast %scan3A_120 : i32 to index
        %get3A_361 = arith.constant 384 : index
        %get3A_362 = tpu.vector_load %arg5[%get3A_360, %get3A_361] {strides = array<i32>} : memref<8x1024xf32, #tpu.memory_space<vmem>>, vector<1x16xf32>,
        %get3A_363 = vector.shape_cast %get3A_362 : vector<1x16xf32> to vector<16xf32>
        %swap3A_364 = arith.index_cast %scan3A_110 : i32 to index
        %swap3A_365 = arith.index_cast %scan3A_120 : i32 to index
        %swap3A_366 = arith.constant 384 : index
        %swap3A_367 = tpu.vector_load %arg7[%swap3A_364, %swap3A_365, %swap3A_366] {strides = array<i32>} : memref<4x8x1024xf32, #tpu.memory_space<vmem>>, vector<1x1x16xf32>,
        %swap3A_368 = vector.shape_cast %swap3A_367 : vector<1x1x16xf32> to vector<16xf32>
        %swap3A_369 = vector.shape_cast %get3A_363 : vector<16xf32> to vector<1x1x16xf32>
        tpu.vector_store %arg7[%swap3A_364, %swap3A_365, %swap3A_366], %swap3A_369 {add = true, strides = array<i32>} : memref<4x8x1024xf32, #tpu.memory_space<vmem>>, vector<1x1x16xf32>,
        %get3A_370 = arith.index_cast %scan3A_120 : i32 to index
        %get3A_371 = arith.constant 400 : index
        %get3A_372 = tpu.vector_load %arg5[%get3A_370, %get3A_371] {strides = array<i32>} : memref<8x1024xf32, #tpu.memory_space<vmem>>, vector<1x16xf32>,
        %get3A_373 = vector.shape_cast %get3A_372 : vector<1x16xf32> to vector<16xf32>
        %swap3A_374 = arith.index_cast %scan3A_110 : i32 to index
        %swap3A_375 = arith.index_cast %scan3A_120 : i32 to index
        %swap3A_376 = arith.constant 400 : index
        %swap3A_377 = tpu.vector_load %arg7[%swap3A_374, %swap3A_375, %swap3A_376] {strides = array<i32>} : memref<4x8x1024xf32, #tpu.memory_space<vmem>>, vector<1x1x16xf32>,
        %swap3A_378 = vector.shape_cast %swap3A_377 : vector<1x1x16xf32> to vector<16xf32>
        %swap3A_379 = vector.shape_cast %get3A_373 : vector<16xf32> to vector<1x1x16xf32>
        tpu.vector_store %arg7[%swap3A_374, %swap3A_375, %swap3A_376], %swap3A_379 {add = true, strides = array<i32>} : memref<4x8x1024xf32, #tpu.memory_space<vmem>>, vector<1x1x16xf32>,
        %get3A_380 = arith.index_cast %scan3A_120 : i32 to index
        %get3A_381 = arith.constant 416 : index
        %get3A_382 = tpu.vector_load %arg5[%get3A_380, %get3A_381] {strides = array<i32>} : memref<8x1024xf32, #tpu.memory_space<vmem>>, vector<1x16xf32>,
        %get3A_383 = vector.shape_cast %get3A_382 : vector<1x16xf32> to vector<16xf32>
        %swap3A_384 = arith.index_cast %scan3A_110 : i32 to index
        %swap3A_385 = arith.index_cast %scan3A_120 : i32 to index
        %swap3A_386 = arith.constant 416 : index
        %swap3A_387 = tpu.vector_load %arg7[%swap3A_384, %swap3A_385, %swap3A_386] {strides = array<i32>} : memref<4x8x1024xf32, #tpu.memory_space<vmem>>, vector<1x1x16xf32>,
        %swap3A_388 = vector.shape_cast %swap3A_387 : vector<1x1x16xf32> to vector<16xf32>
        %swap3A_389 = vector.shape_cast %get3A_383 : vector<16xf32> to vector<1x1x16xf32>
        tpu.vector_store %arg7[%swap3A_384, %swap3A_385, %swap3A_386], %swap3A_389 {add = true, strides = array<i32>} : memref<4x8x1024xf32, #tpu.memory_space<vmem>>, vector<1x1x16xf32>,
        %get3A_390 = arith.index_cast %scan3A_120 : i32 to index
        %get3A_391 = arith.constant 432 : index
        %get3A_392 = tpu.vector_load %arg5[%get3A_390, %get3A_391] {strides = array<i32>} : memref<8x1024xf32, #tpu.memory_space<vmem>>, vector<1x16xf32>,
        %get3A_393 = vector.shape_cast %get3A_392 : vector<1x16xf32> to vector<16xf32>
        %swap3A_394 = arith.index_cast %scan3A_110 : i32 to index
        %swap3A_395 = arith.index_cast %scan3A_120 : i32 to index
        %swap3A_396 = arith.constant 432 : index
        %swap3A_397 = tpu.vector_load %arg7[%swap3A_394, %swap3A_395, %swap3A_396] {strides = array<i32>} : memref<4x8x1024xf32, #tpu.memory_space<vmem>>, vector<1x1x16xf32>,
        %swap3A_398 = vector.shape_cast %swap3A_397 : vector<1x1x16xf32> to vector<16xf32>
        %swap3A_399 = vector.shape_cast %get3A_393 : vector<16xf32> to vector<1x1x16xf32>
        tpu.vector_store %arg7[%swap3A_394, %swap3A_395, %swap3A_396], %swap3A_399 {add = true, strides = array<i32>} : memref<4x8x1024xf32, #tpu.memory_space<vmem>>, vector<1x1x16xf32>,
        %get3A_400 = arith.index_cast %scan3A_120 : i32 to index
        %get3A_401 = arith.constant 448 : index
        %get3A_402 = tpu.vector_load %arg5[%get3A_400, %get3A_401] {strides = array<i32>} : memref<8x1024xf32, #tpu.memory_space<vmem>>, vector<1x16xf32>,
        %get3A_403 = vector.shape_cast %get3A_402 : vector<1x16xf32> to vector<16xf32>
        %swap3A_404 = arith.index_cast %scan3A_110 : i32 to index
        %swap3A_405 = arith.index_cast %scan3A_120 : i32 to index
        %swap3A_406 = arith.constant 448 : index
        %swap3A_407 = tpu.vector_load %arg7[%swap3A_404, %swap3A_405, %swap3A_406] {strides = array<i32>} : memref<4x8x1024xf32, #tpu.memory_space<vmem>>, vector<1x1x16xf32>,
        %swap3A_408 = vector.shape_cast %swap3A_407 : vector<1x1x16xf32> to vector<16xf32>
        %swap3A_409 = vector.shape_cast %get3A_403 : vector<16xf32> to vector<1x1x16xf32>
        tpu.vector_store %arg7[%swap3A_404, %swap3A_405, %swap3A_406], %swap3A_409 {add = true, strides = array<i32>} : memref<4x8x1024xf32, #tpu.memory_space<vmem>>, vector<1x1x16xf32>,
        %get3A_410 = arith.index_cast %scan3A_120 : i32 to index
        %get3A_411 = arith.constant 464 : index
        %get3A_412 = tpu.vector_load %arg5[%get3A_410, %get3A_411] {strides = array<i32>} : memref<8x1024xf32, #tpu.memory_space<vmem>>, vector<1x16xf32>,
        %get3A_413 = vector.shape_cast %get3A_412 : vector<1x16xf32> to vector<16xf32>
        %swap3A_414 = arith.index_cast %scan3A_110 : i32 to index
        %swap3A_415 = arith.index_cast %scan3A_120 : i32 to index
        %swap3A_416 = arith.constant 464 : index
        %swap3A_417 = tpu.vector_load %arg7[%swap3A_414, %swap3A_415, %swap3A_416] {strides = array<i32>} : memref<4x8x1024xf32, #tpu.memory_space<vmem>>, vector<1x1x16xf32>,
        %swap3A_418 = vector.shape_cast %swap3A_417 : vector<1x1x16xf32> to vector<16xf32>
        %swap3A_419 = vector.shape_cast %get3A_413 : vector<16xf32> to vector<1x1x16xf32>
        tpu.vector_store %arg7[%swap3A_414, %swap3A_415, %swap3A_416], %swap3A_419 {add = true, strides = array<i32>} : memref<4x8x1024xf32, #tpu.memory_space<vmem>>, vector<1x1x16xf32>,
        %get3A_420 = arith.index_cast %scan3A_120 : i32 to index
        %get3A_421 = arith.constant 480 : index
        %get3A_422 = tpu.vector_load %arg5[%get3A_420, %get3A_421] {strides = array<i32>} : memref<8x1024xf32, #tpu.memory_space<vmem>>, vector<1x16xf32>,
        %get3A_423 = vector.shape_cast %get3A_422 : vector<1x16xf32> to vector<16xf32>
        %swap3A_424 = arith.index_cast %scan3A_110 : i32 to index
        %swap3A_425 = arith.index_cast %scan3A_120 : i32 to index
        %swap3A_426 = arith.constant 480 : index
        %swap3A_427 = tpu.vector_load %arg7[%swap3A_424, %swap3A_425, %swap3A_426] {strides = array<i32>} : memref<4x8x1024xf32, #tpu.memory_space<vmem>>, vector<1x1x16xf32>,
        %swap3A_428 = vector.shape_cast %swap3A_427 : vector<1x1x16xf32> to vector<16xf32>
        %swap3A_429 = vector.shape_cast %get3A_423 : vector<16xf32> to vector<1x1x16xf32>
        tpu.vector_store %arg7[%swap3A_424, %swap3A_425, %swap3A_426], %swap3A_429 {add = true, strides = array<i32>} : memref<4x8x1024xf32, #tpu.memory_space<vmem>>, vector<1x1x16xf32>,
        %get3A_430 = arith.index_cast %scan3A_120 : i32 to index
        %get3A_431 = arith.constant 496 : index
        %get3A_432 = tpu.vector_load %arg5[%get3A_430, %get3A_431] {strides = array<i32>} : memref<8x1024xf32, #tpu.memory_space<vmem>>, vector<1x16xf32>,
        %get3A_433 = vector.shape_cast %get3A_432 : vector<1x16xf32> to vector<16xf32>
        %swap3A_434 = arith.index_cast %scan3A_110 : i32 to index
        %swap3A_435 = arith.index_cast %scan3A_120 : i32 to index
        %swap3A_436 = arith.constant 496 : index
        %swap3A_437 = tpu.vector_load %arg7[%swap3A_434, %swap3A_435, %swap3A_436] {strides = array<i32>} : memref<4x8x1024xf32, #tpu.memory_space<vmem>>, vector<1x1x16xf32>,
        %swap3A_438 = vector.shape_cast %swap3A_437 : vector<1x1x16xf32> to vector<16xf32>
        %swap3A_439 = vector.shape_cast %get3A_433 : vector<16xf32> to vector<1x1x16xf32>
        tpu.vector_store %arg7[%swap3A_434, %swap3A_435, %swap3A_436], %swap3A_439 {add = true, strides = array<i32>} : memref<4x8x1024xf32, #tpu.memory_space<vmem>>, vector<1x1x16xf32>,
        %get3A_440 = arith.index_cast %scan3A_120 : i32 to index
        %get3A_441 = arith.constant 512 : index
        %get3A_442 = tpu.vector_load %arg5[%get3A_440, %get3A_441] {strides = array<i32>} : memref<8x1024xf32, #tpu.memory_space<vmem>>, vector<1x16xf32>,
        %get3A_443 = vector.shape_cast %get3A_442 : vector<1x16xf32> to vector<16xf32>
        %swap3A_444 = arith.index_cast %scan3A_110 : i32 to index
        %swap3A_445 = arith.index_cast %scan3A_120 : i32 to index
        %swap3A_446 = arith.constant 512 : index
        %swap3A_447 = tpu.vector_load %arg7[%swap3A_444, %swap3A_445, %swap3A_446] {strides = array<i32>} : memref<4x8x1024xf32, #tpu.memory_space<vmem>>, vector<1x1x16xf32>,
        %swap3A_448 = vector.shape_cast %swap3A_447 : vector<1x1x16xf32> to vector<16xf32>
        %swap3A_449 = vector.shape_cast %get3A_443 : vector<16xf32> to vector<1x1x16xf32>
        tpu.vector_store %arg7[%swap3A_444, %swap3A_445, %swap3A_446], %swap3A_449 {add = true, strides = array<i32>} : memref<4x8x1024xf32, #tpu.memory_space<vmem>>, vector<1x1x16xf32>,
        %get3A_450 = arith.index_cast %scan3A_120 : i32 to index
        %get3A_451 = arith.constant 528 : index
        %get3A_452 = tpu.vector_load %arg5[%get3A_450, %get3A_451] {strides = array<i32>} : memref<8x1024xf32, #tpu.memory_space<vmem>>, vector<1x16xf32>,
        %get3A_453 = vector.shape_cast %get3A_452 : vector<1x16xf32> to vector<16xf32>
        %swap3A_454 = arith.index_cast %scan3A_110 : i32 to index
        %swap3A_455 = arith.index_cast %scan3A_120 : i32 to index
        %swap3A_456 = arith.constant 528 : index
        %swap3A_457 = tpu.vector_load %arg7[%swap3A_454, %swap3A_455, %swap3A_456] {strides = array<i32>} : memref<4x8x1024xf32, #tpu.memory_space<vmem>>, vector<1x1x16xf32>,
        %swap3A_458 = vector.shape_cast %swap3A_457 : vector<1x1x16xf32> to vector<16xf32>
        %swap3A_459 = vector.shape_cast %get3A_453 : vector<16xf32> to vector<1x1x16xf32>
        tpu.vector_store %arg7[%swap3A_454, %swap3A_455, %swap3A_456], %swap3A_459 {add = true, strides = array<i32>} : memref<4x8x1024xf32, #tpu.memory_space<vmem>>, vector<1x1x16xf32>,
        %get3A_460 = arith.index_cast %scan3A_120 : i32 to index
        %get3A_461 = arith.constant 544 : index
        %get3A_462 = tpu.vector_load %arg5[%get3A_460, %get3A_461] {strides = array<i32>} : memref<8x1024xf32, #tpu.memory_space<vmem>>, vector<1x16xf32>,
        %get3A_463 = vector.shape_cast %get3A_462 : vector<1x16xf32> to vector<16xf32>
        %swap3A_464 = arith.index_cast %scan3A_110 : i32 to index
        %swap3A_465 = arith.index_cast %scan3A_120 : i32 to index
        %swap3A_466 = arith.constant 544 : index
        %swap3A_467 = tpu.vector_load %arg7[%swap3A_464, %swap3A_465, %swap3A_466] {strides = array<i32>} : memref<4x8x1024xf32, #tpu.memory_space<vmem>>, vector<1x1x16xf32>,
        %swap3A_468 = vector.shape_cast %swap3A_467 : vector<1x1x16xf32> to vector<16xf32>
        %swap3A_469 = vector.shape_cast %get3A_463 : vector<16xf32> to vector<1x1x16xf32>
        tpu.vector_store %arg7[%swap3A_464, %swap3A_465, %swap3A_466], %swap3A_469 {add = true, strides = array<i32>} : memref<4x8x1024xf32, #tpu.memory_space<vmem>>, vector<1x1x16xf32>,
        %get3A_470 = arith.index_cast %scan3A_120 : i32 to index
        %get3A_471 = arith.constant 560 : index
        %get3A_472 = tpu.vector_load %arg5[%get3A_470, %get3A_471] {strides = array<i32>} : memref<8x1024xf32, #tpu.memory_space<vmem>>, vector<1x16xf32>,
        %get3A_473 = vector.shape_cast %get3A_472 : vector<1x16xf32> to vector<16xf32>
        %swap3A_474 = arith.index_cast %scan3A_110 : i32 to index
        %swap3A_475 = arith.index_cast %scan3A_120 : i32 to index
        %swap3A_476 = arith.constant 560 : index
        %swap3A_477 = tpu.vector_load %arg7[%swap3A_474, %swap3A_475, %swap3A_476] {strides = array<i32>} : memref<4x8x1024xf32, #tpu.memory_space<vmem>>, vector<1x1x16xf32>,
        %swap3A_478 = vector.shape_cast %swap3A_477 : vector<1x1x16xf32> to vector<16xf32>
        %swap3A_479 = vector.shape_cast %get3A_473 : vector<16xf32> to vector<1x1x16xf32>
        tpu.vector_store %arg7[%swap3A_474, %swap3A_475, %swap3A_476], %swap3A_479 {add = true, strides = array<i32>} : memref<4x8x1024xf32, #tpu.memory_space<vmem>>, vector<1x1x16xf32>,
        %get3A_480 = arith.index_cast %scan3A_120 : i32 to index
        %get3A_481 = arith.constant 576 : index
        %get3A_482 = tpu.vector_load %arg5[%get3A_480, %get3A_481] {strides = array<i32>} : memref<8x1024xf32, #tpu.memory_space<vmem>>, vector<1x16xf32>,
        %get3A_483 = vector.shape_cast %get3A_482 : vector<1x16xf32> to vector<16xf32>
        %swap3A_484 = arith.index_cast %scan3A_110 : i32 to index
        %swap3A_485 = arith.index_cast %scan3A_120 : i32 to index
        %swap3A_486 = arith.constant 576 : index
        %swap3A_487 = tpu.vector_load %arg7[%swap3A_484, %swap3A_485, %swap3A_486] {strides = array<i32>} : memref<4x8x1024xf32, #tpu.memory_space<vmem>>, vector<1x1x16xf32>,
        %swap3A_488 = vector.shape_cast %swap3A_487 : vector<1x1x16xf32> to vector<16xf32>
        %swap3A_489 = vector.shape_cast %get3A_483 : vector<16xf32> to vector<1x1x16xf32>
        tpu.vector_store %arg7[%swap3A_484, %swap3A_485, %swap3A_486], %swap3A_489 {add = true, strides = array<i32>} : memref<4x8x1024xf32, #tpu.memory_space<vmem>>, vector<1x1x16xf32>,
        %get3A_490 = arith.index_cast %scan3A_120 : i32 to index
        %get3A_491 = arith.constant 592 : index
        %get3A_492 = tpu.vector_load %arg5[%get3A_490, %get3A_491] {strides = array<i32>} : memref<8x1024xf32, #tpu.memory_space<vmem>>, vector<1x16xf32>,
        %get3A_493 = vector.shape_cast %get3A_492 : vector<1x16xf32> to vector<16xf32>
        %swap3A_494 = arith.index_cast %scan3A_110 : i32 to index
        %swap3A_495 = arith.index_cast %scan3A_120 : i32 to index
        %swap3A_496 = arith.constant 592 : index
        %swap3A_497 = tpu.vector_load %arg7[%swap3A_494, %swap3A_495, %swap3A_496] {strides = array<i32>} : memref<4x8x1024xf32, #tpu.memory_space<vmem>>, vector<1x1x16xf32>,
        %swap3A_498 = vector.shape_cast %swap3A_497 : vector<1x1x16xf32> to vector<16xf32>
        %swap3A_499 = vector.shape_cast %get3A_493 : vector<16xf32> to vector<1x1x16xf32>
        tpu.vector_store %arg7[%swap3A_494, %swap3A_495, %swap3A_496], %swap3A_499 {add = true, strides = array<i32>} : memref<4x8x1024xf32, #tpu.memory_space<vmem>>, vector<1x1x16xf32>,
        %get3A_500 = arith.index_cast %scan3A_120 : i32 to index
        %get3A_501 = arith.constant 608 : index
        %get3A_502 = tpu.vector_load %arg5[%get3A_500, %get3A_501] {strides = array<i32>} : memref<8x1024xf32, #tpu.memory_space<vmem>>, vector<1x16xf32>,
        %get3A_503 = vector.shape_cast %get3A_502 : vector<1x16xf32> to vector<16xf32>
        %swap3A_504 = arith.index_cast %scan3A_110 : i32 to index
        %swap3A_505 = arith.index_cast %scan3A_120 : i32 to index
        %swap3A_506 = arith.constant 608 : index
        %swap3A_507 = tpu.vector_load %arg7[%swap3A_504, %swap3A_505, %swap3A_506] {strides = array<i32>} : memref<4x8x1024xf32, #tpu.memory_space<vmem>>, vector<1x1x16xf32>,
        %swap3A_508 = vector.shape_cast %swap3A_507 : vector<1x1x16xf32> to vector<16xf32>
        %swap3A_509 = vector.shape_cast %get3A_503 : vector<16xf32> to vector<1x1x16xf32>
        tpu.vector_store %arg7[%swap3A_504, %swap3A_505, %swap3A_506], %swap3A_509 {add = true, strides = array<i32>} : memref<4x8x1024xf32, #tpu.memory_space<vmem>>, vector<1x1x16xf32>,
        %get3A_510 = arith.index_cast %scan3A_120 : i32 to index
        %get3A_511 = arith.constant 624 : index
        %get3A_512 = tpu.vector_load %arg5[%get3A_510, %get3A_511] {strides = array<i32>} : memref<8x1024xf32, #tpu.memory_space<vmem>>, vector<1x16xf32>,
        %get3A_513 = vector.shape_cast %get3A_512 : vector<1x16xf32> to vector<16xf32>
        %swap3A_514 = arith.index_cast %scan3A_110 : i32 to index
        %swap3A_515 = arith.index_cast %scan3A_120 : i32 to index
        %swap3A_516 = arith.constant 624 : index
        %swap3A_517 = tpu.vector_load %arg7[%swap3A_514, %swap3A_515, %swap3A_516] {strides = array<i32>} : memref<4x8x1024xf32, #tpu.memory_space<vmem>>, vector<1x1x16xf32>,
        %swap3A_518 = vector.shape_cast %swap3A_517 : vector<1x1x16xf32> to vector<16xf32>
        %swap3A_519 = vector.shape_cast %get3A_513 : vector<16xf32> to vector<1x1x16xf32>
        tpu.vector_store %arg7[%swap3A_514, %swap3A_515, %swap3A_516], %swap3A_519 {add = true, strides = array<i32>} : memref<4x8x1024xf32, #tpu.memory_space<vmem>>, vector<1x1x16xf32>,
        %get3A_520 = arith.index_cast %scan3A_120 : i32 to index
        %get3A_521 = arith.constant 640 : index
        %get3A_522 = tpu.vector_load %arg5[%get3A_520, %get3A_521] {strides = array<i32>} : memref<8x1024xf32, #tpu.memory_space<vmem>>, vector<1x16xf32>,
        %get3A_523 = vector.shape_cast %get3A_522 : vector<1x16xf32> to vector<16xf32>
        %swap3A_524 = arith.index_cast %scan3A_110 : i32 to index
        %swap3A_525 = arith.index_cast %scan3A_120 : i32 to index
        %swap3A_526 = arith.constant 640 : index
        %swap3A_527 = tpu.vector_load %arg7[%swap3A_524, %swap3A_525, %swap3A_526] {strides = array<i32>} : memref<4x8x1024xf32, #tpu.memory_space<vmem>>, vector<1x1x16xf32>,
        %swap3A_528 = vector.shape_cast %swap3A_527 : vector<1x1x16xf32> to vector<16xf32>
        %swap3A_529 = vector.shape_cast %get3A_523 : vector<16xf32> to vector<1x1x16xf32>
        tpu.vector_store %arg7[%swap3A_524, %swap3A_525, %swap3A_526], %swap3A_529 {add = true, strides = array<i32>} : memref<4x8x1024xf32, #tpu.memory_space<vmem>>, vector<1x1x16xf32>,
        %get3A_530 = arith.index_cast %scan3A_120 : i32 to index
        %get3A_531 = arith.constant 656 : index
        %get3A_532 = tpu.vector_load %arg5[%get3A_530, %get3A_531] {strides = array<i32>} : memref<8x1024xf32, #tpu.memory_space<vmem>>, vector<1x16xf32>,
        %get3A_533 = vector.shape_cast %get3A_532 : vector<1x16xf32> to vector<16xf32>
        %swap3A_534 = arith.index_cast %scan3A_110 : i32 to index
        %swap3A_535 = arith.index_cast %scan3A_120 : i32 to index
        %swap3A_536 = arith.constant 656 : index
        %swap3A_537 = tpu.vector_load %arg7[%swap3A_534, %swap3A_535, %swap3A_536] {strides = array<i32>} : memref<4x8x1024xf32, #tpu.memory_space<vmem>>, vector<1x1x16xf32>,
        %swap3A_538 = vector.shape_cast %swap3A_537 : vector<1x1x16xf32> to vector<16xf32>
        %swap3A_539 = vector.shape_cast %get3A_533 : vector<16xf32> to vector<1x1x16xf32>
        tpu.vector_store %arg7[%swap3A_534, %swap3A_535, %swap3A_536], %swap3A_539 {add = true, strides = array<i32>} : memref<4x8x1024xf32, #tpu.memory_space<vmem>>, vector<1x1x16xf32>,
        %get3A_540 = arith.index_cast %scan3A_120 : i32 to index
        %get3A_541 = arith.constant 672 : index
        %get3A_542 = tpu.vector_load %arg5[%get3A_540, %get3A_541] {strides = array<i32>} : memref<8x1024xf32, #tpu.memory_space<vmem>>, vector<1x16xf32>,
        %get3A_543 = vector.shape_cast %get3A_542 : vector<1x16xf32> to vector<16xf32>
        %swap3A_544 = arith.index_cast %scan3A_110 : i32 to index
        %swap3A_545 = arith.index_cast %scan3A_120 : i32 to index
        %swap3A_546 = arith.constant 672 : index
        %swap3A_547 = tpu.vector_load %arg7[%swap3A_544, %swap3A_545, %swap3A_546] {strides = array<i32>} : memref<4x8x1024xf32, #tpu.memory_space<vmem>>, vector<1x1x16xf32>,
        %swap3A_548 = vector.shape_cast %swap3A_547 : vector<1x1x16xf32> to vector<16xf32>
        %swap3A_549 = vector.shape_cast %get3A_543 : vector<16xf32> to vector<1x1x16xf32>
        tpu.vector_store %arg7[%swap3A_544, %swap3A_545, %swap3A_546], %swap3A_549 {add = true, strides = array<i32>} : memref<4x8x1024xf32, #tpu.memory_space<vmem>>, vector<1x1x16xf32>,
        %get3A_550 = arith.index_cast %scan3A_120 : i32 to index
        %get3A_551 = arith.constant 688 : index
        %get3A_552 = tpu.vector_load %arg5[%get3A_550, %get3A_551] {strides = array<i32>} : memref<8x1024xf32, #tpu.memory_space<vmem>>, vector<1x16xf32>,
        %get3A_553 = vector.shape_cast %get3A_552 : vector<1x16xf32> to vector<16xf32>
        %swap3A_554 = arith.index_cast %scan3A_110 : i32 to index
        %swap3A_555 = arith.index_cast %scan3A_120 : i32 to index
        %swap3A_556 = arith.constant 688 : index
        %swap3A_557 = tpu.vector_load %arg7[%swap3A_554, %swap3A_555, %swap3A_556] {strides = array<i32>} : memref<4x8x1024xf32, #tpu.memory_space<vmem>>, vector<1x1x16xf32>,
        %swap3A_558 = vector.shape_cast %swap3A_557 : vector<1x1x16xf32> to vector<16xf32>
        %swap3A_559 = vector.shape_cast %get3A_553 : vector<16xf32> to vector<1x1x16xf32>
        tpu.vector_store %arg7[%swap3A_554, %swap3A_555, %swap3A_556], %swap3A_559 {add = true, strides = array<i32>} : memref<4x8x1024xf32, #tpu.memory_space<vmem>>, vector<1x1x16xf32>,
        %get3A_560 = arith.index_cast %scan3A_120 : i32 to index
        %get3A_561 = arith.constant 704 : index
        %get3A_562 = tpu.vector_load %arg5[%get3A_560, %get3A_561] {strides = array<i32>} : memref<8x1024xf32, #tpu.memory_space<vmem>>, vector<1x16xf32>,
        %get3A_563 = vector.shape_cast %get3A_562 : vector<1x16xf32> to vector<16xf32>
        %swap3A_564 = arith.index_cast %scan3A_110 : i32 to index
        %swap3A_565 = arith.index_cast %scan3A_120 : i32 to index
        %swap3A_566 = arith.constant 704 : index
        %swap3A_567 = tpu.vector_load %arg7[%swap3A_564, %swap3A_565, %swap3A_566] {strides = array<i32>} : memref<4x8x1024xf32, #tpu.memory_space<vmem>>, vector<1x1x16xf32>,
        %swap3A_568 = vector.shape_cast %swap3A_567 : vector<1x1x16xf32> to vector<16xf32>
        %swap3A_569 = vector.shape_cast %get3A_563 : vector<16xf32> to vector<1x1x16xf32>
        tpu.vector_store %arg7[%swap3A_564, %swap3A_565, %swap3A_566], %swap3A_569 {add = true, strides = array<i32>} : memref<4x8x1024xf32, #tpu.memory_space<vmem>>, vector<1x1x16xf32>,
        %get3A_570 = arith.index_cast %scan3A_120 : i32 to index
        %get3A_571 = arith.constant 720 : index
        %get3A_572 = tpu.vector_load %arg5[%get3A_570, %get3A_571] {strides = array<i32>} : memref<8x1024xf32, #tpu.memory_space<vmem>>, vector<1x16xf32>,
        %get3A_573 = vector.shape_cast %get3A_572 : vector<1x16xf32> to vector<16xf32>
        %swap3A_574 = arith.index_cast %scan3A_110 : i32 to index
        %swap3A_575 = arith.index_cast %scan3A_120 : i32 to index
        %swap3A_576 = arith.constant 720 : index
        %swap3A_577 = tpu.vector_load %arg7[%swap3A_574, %swap3A_575, %swap3A_576] {strides = array<i32>} : memref<4x8x1024xf32, #tpu.memory_space<vmem>>, vector<1x1x16xf32>,
        %swap3A_578 = vector.shape_cast %swap3A_577 : vector<1x1x16xf32> to vector<16xf32>
        %swap3A_579 = vector.shape_cast %get3A_573 : vector<16xf32> to vector<1x1x16xf32>
        tpu.vector_store %arg7[%swap3A_574, %swap3A_575, %swap3A_576], %swap3A_579 {add = true, strides = array<i32>} : memref<4x8x1024xf32, #tpu.memory_space<vmem>>, vector<1x1x16xf32>,
        %get3A_580 = arith.index_cast %scan3A_120 : i32 to index
        %get3A_581 = arith.constant 736 : index
        %get3A_582 = tpu.vector_load %arg5[%get3A_580, %get3A_581] {strides = array<i32>} : memref<8x1024xf32, #tpu.memory_space<vmem>>, vector<1x16xf32>,
        %get3A_583 = vector.shape_cast %get3A_582 : vector<1x16xf32> to vector<16xf32>
        %swap3A_584 = arith.index_cast %scan3A_110 : i32 to index
        %swap3A_585 = arith.index_cast %scan3A_120 : i32 to index
        %swap3A_586 = arith.constant 736 : index
        %swap3A_587 = tpu.vector_load %arg7[%swap3A_584, %swap3A_585, %swap3A_586] {strides = array<i32>} : memref<4x8x1024xf32, #tpu.memory_space<vmem>>, vector<1x1x16xf32>,
        %swap3A_588 = vector.shape_cast %swap3A_587 : vector<1x1x16xf32> to vector<16xf32>
        %swap3A_589 = vector.shape_cast %get3A_583 : vector<16xf32> to vector<1x1x16xf32>
        tpu.vector_store %arg7[%swap3A_584, %swap3A_585, %swap3A_586], %swap3A_589 {add = true, strides = array<i32>} : memref<4x8x1024xf32, #tpu.memory_space<vmem>>, vector<1x1x16xf32>,
        %get3A_590 = arith.index_cast %scan3A_120 : i32 to index
        %get3A_591 = arith.constant 752 : index
        %get3A_592 = tpu.vector_load %arg5[%get3A_590, %get3A_591] {strides = array<i32>} : memref<8x1024xf32, #tpu.memory_space<vmem>>, vector<1x16xf32>,
        %get3A_593 = vector.shape_cast %get3A_592 : vector<1x16xf32> to vector<16xf32>
        %swap3A_594 = arith.index_cast %scan3A_110 : i32 to index
        %swap3A_595 = arith.index_cast %scan3A_120 : i32 to index
        %swap3A_596 = arith.constant 752 : index
        %swap3A_597 = tpu.vector_load %arg7[%swap3A_594, %swap3A_595, %swap3A_596] {strides = array<i32>} : memref<4x8x1024xf32, #tpu.memory_space<vmem>>, vector<1x1x16xf32>,
        %swap3A_598 = vector.shape_cast %swap3A_597 : vector<1x1x16xf32> to vector<16xf32>
        %swap3A_599 = vector.shape_cast %get3A_593 : vector<16xf32> to vector<1x1x16xf32>
        tpu.vector_store %arg7[%swap3A_594, %swap3A_595, %swap3A_596], %swap3A_599 {add = true, strides = array<i32>} : memref<4x8x1024xf32, #tpu.memory_space<vmem>>, vector<1x1x16xf32>,
        %get3A_600 = arith.index_cast %scan3A_120 : i32 to index
        %get3A_601 = arith.constant 768 : index
        %get3A_602 = tpu.vector_load %arg5[%get3A_600, %get3A_601] {strides = array<i32>} : memref<8x1024xf32, #tpu.memory_space<vmem>>, vector<1x16xf32>,
        %get3A_603 = vector.shape_cast %get3A_602 : vector<1x16xf32> to vector<16xf32>
        %swap3A_604 = arith.index_cast %scan3A_110 : i32 to index
        %swap3A_605 = arith.index_cast %scan3A_120 : i32 to index
        %swap3A_606 = arith.constant 768 : index
        %swap3A_607 = tpu.vector_load %arg7[%swap3A_604, %swap3A_605, %swap3A_606] {strides = array<i32>} : memref<4x8x1024xf32, #tpu.memory_space<vmem>>, vector<1x1x16xf32>,
        %swap3A_608 = vector.shape_cast %swap3A_607 : vector<1x1x16xf32> to vector<16xf32>
        %swap3A_609 = vector.shape_cast %get3A_603 : vector<16xf32> to vector<1x1x16xf32>
        tpu.vector_store %arg7[%swap3A_604, %swap3A_605, %swap3A_606], %swap3A_609 {add = true, strides = array<i32>} : memref<4x8x1024xf32, #tpu.memory_space<vmem>>, vector<1x1x16xf32>,
        %get3A_610 = arith.index_cast %scan3A_120 : i32 to index
        %get3A_611 = arith.constant 784 : index
        %get3A_612 = tpu.vector_load %arg5[%get3A_610, %get3A_611] {strides = array<i32>} : memref<8x1024xf32, #tpu.memory_space<vmem>>, vector<1x16xf32>,
        %get3A_613 = vector.shape_cast %get3A_612 : vector<1x16xf32> to vector<16xf32>
        %swap3A_614 = arith.index_cast %scan3A_110 : i32 to index
        %swap3A_615 = arith.index_cast %scan3A_120 : i32 to index
        %swap3A_616 = arith.constant 784 : index
        %swap3A_617 = tpu.vector_load %arg7[%swap3A_614, %swap3A_615, %swap3A_616] {strides = array<i32>} : memref<4x8x1024xf32, #tpu.memory_space<vmem>>, vector<1x1x16xf32>,
        %swap3A_618 = vector.shape_cast %swap3A_617 : vector<1x1x16xf32> to vector<16xf32>
        %swap3A_619 = vector.shape_cast %get3A_613 : vector<16xf32> to vector<1x1x16xf32>
        tpu.vector_store %arg7[%swap3A_614, %swap3A_615, %swap3A_616], %swap3A_619 {add = true, strides = array<i32>} : memref<4x8x1024xf32, #tpu.memory_space<vmem>>, vector<1x1x16xf32>,
        %get3A_620 = arith.index_cast %scan3A_120 : i32 to index
        %get3A_621 = arith.constant 800 : index
        %get3A_622 = tpu.vector_load %arg5[%get3A_620, %get3A_621] {strides = array<i32>} : memref<8x1024xf32, #tpu.memory_space<vmem>>, vector<1x16xf32>,
        %get3A_623 = vector.shape_cast %get3A_622 : vector<1x16xf32> to vector<16xf32>
        %swap3A_624 = arith.index_cast %scan3A_110 : i32 to index
        %swap3A_625 = arith.index_cast %scan3A_120 : i32 to index
        %swap3A_626 = arith.constant 800 : index
        %swap3A_627 = tpu.vector_load %arg7[%swap3A_624, %swap3A_625, %swap3A_626] {strides = array<i32>} : memref<4x8x1024xf32, #tpu.memory_space<vmem>>, vector<1x1x16xf32>,
        %swap3A_628 = vector.shape_cast %swap3A_627 : vector<1x1x16xf32> to vector<16xf32>
        %swap3A_629 = vector.shape_cast %get3A_623 : vector<16xf32> to vector<1x1x16xf32>
        tpu.vector_store %arg7[%swap3A_624, %swap3A_625, %swap3A_626], %swap3A_629 {add = true, strides = array<i32>} : memref<4x8x1024xf32, #tpu.memory_space<vmem>>, vector<1x1x16xf32>,
        %get3A_630 = arith.index_cast %scan3A_120 : i32 to index
        %get3A_631 = arith.constant 816 : index
        %get3A_632 = tpu.vector_load %arg5[%get3A_630, %get3A_631] {strides = array<i32>} : memref<8x1024xf32, #tpu.memory_space<vmem>>, vector<1x16xf32>,
        %get3A_633 = vector.shape_cast %get3A_632 : vector<1x16xf32> to vector<16xf32>
        %swap3A_634 = arith.index_cast %scan3A_110 : i32 to index
        %swap3A_635 = arith.index_cast %scan3A_120 : i32 to index
        %swap3A_636 = arith.constant 816 : index
        %swap3A_637 = tpu.vector_load %arg7[%swap3A_634, %swap3A_635, %swap3A_636] {strides = array<i32>} : memref<4x8x1024xf32, #tpu.memory_space<vmem>>, vector<1x1x16xf32>,
        %swap3A_638 = vector.shape_cast %swap3A_637 : vector<1x1x16xf32> to vector<16xf32>
        %swap3A_639 = vector.shape_cast %get3A_633 : vector<16xf32> to vector<1x1x16xf32>
        tpu.vector_store %arg7[%swap3A_634, %swap3A_635, %swap3A_636], %swap3A_639 {add = true, strides = array<i32>} : memref<4x8x1024xf32, #tpu.memory_space<vmem>>, vector<1x1x16xf32>,
        %get3A_640 = arith.index_cast %scan3A_120 : i32 to index
        %get3A_641 = arith.constant 832 : index
        %get3A_642 = tpu.vector_load %arg5[%get3A_640, %get3A_641] {strides = array<i32>} : memref<8x1024xf32, #tpu.memory_space<vmem>>, vector<1x16xf32>,
        %get3A_643 = vector.shape_cast %get3A_642 : vector<1x16xf32> to vector<16xf32>
        %swap3A_644 = arith.index_cast %scan3A_110 : i32 to index
        %swap3A_645 = arith.index_cast %scan3A_120 : i32 to index
        %swap3A_646 = arith.constant 832 : index
        %swap3A_647 = tpu.vector_load %arg7[%swap3A_644, %swap3A_645, %swap3A_646] {strides = array<i32>} : memref<4x8x1024xf32, #tpu.memory_space<vmem>>, vector<1x1x16xf32>,
        %swap3A_648 = vector.shape_cast %swap3A_647 : vector<1x1x16xf32> to vector<16xf32>
        %swap3A_649 = vector.shape_cast %get3A_643 : vector<16xf32> to vector<1x1x16xf32>
        tpu.vector_store %arg7[%swap3A_644, %swap3A_645, %swap3A_646], %swap3A_649 {add = true, strides = array<i32>} : memref<4x8x1024xf32, #tpu.memory_space<vmem>>, vector<1x1x16xf32>,
        %get3A_650 = arith.index_cast %scan3A_120 : i32 to index
        %get3A_651 = arith.constant 848 : index
        %get3A_652 = tpu.vector_load %arg5[%get3A_650, %get3A_651] {strides = array<i32>} : memref<8x1024xf32, #tpu.memory_space<vmem>>, vector<1x16xf32>,
        %get3A_653 = vector.shape_cast %get3A_652 : vector<1x16xf32> to vector<16xf32>
        %swap3A_654 = arith.index_cast %scan3A_110 : i32 to index
        %swap3A_655 = arith.index_cast %scan3A_120 : i32 to index
        %swap3A_656 = arith.constant 848 : index
        %swap3A_657 = tpu.vector_load %arg7[%swap3A_654, %swap3A_655, %swap3A_656] {strides = array<i32>} : memref<4x8x1024xf32, #tpu.memory_space<vmem>>, vector<1x1x16xf32>,
        %swap3A_658 = vector.shape_cast %swap3A_657 : vector<1x1x16xf32> to vector<16xf32>
        %swap3A_659 = vector.shape_cast %get3A_653 : vector<16xf32> to vector<1x1x16xf32>
        tpu.vector_store %arg7[%swap3A_654, %swap3A_655, %swap3A_656], %swap3A_659 {add = true, strides = array<i32>} : memref<4x8x1024xf32, #tpu.memory_space<vmem>>, vector<1x1x16xf32>,
        %get3A_660 = arith.index_cast %scan3A_120 : i32 to index
        %get3A_661 = arith.constant 864 : index
        %get3A_662 = tpu.vector_load %arg5[%get3A_660, %get3A_661] {strides = array<i32>} : memref<8x1024xf32, #tpu.memory_space<vmem>>, vector<1x16xf32>,
        %get3A_663 = vector.shape_cast %get3A_662 : vector<1x16xf32> to vector<16xf32>
        %swap3A_664 = arith.index_cast %scan3A_110 : i32 to index
        %swap3A_665 = arith.index_cast %scan3A_120 : i32 to index
        %swap3A_666 = arith.constant 864 : index
        %swap3A_667 = tpu.vector_load %arg7[%swap3A_664, %swap3A_665, %swap3A_666] {strides = array<i32>} : memref<4x8x1024xf32, #tpu.memory_space<vmem>>, vector<1x1x16xf32>,
        %swap3A_668 = vector.shape_cast %swap3A_667 : vector<1x1x16xf32> to vector<16xf32>
        %swap3A_669 = vector.shape_cast %get3A_663 : vector<16xf32> to vector<1x1x16xf32>
        tpu.vector_store %arg7[%swap3A_664, %swap3A_665, %swap3A_666], %swap3A_669 {add = true, strides = array<i32>} : memref<4x8x1024xf32, #tpu.memory_space<vmem>>, vector<1x1x16xf32>,
        %get3A_670 = arith.index_cast %scan3A_120 : i32 to index
        %get3A_671 = arith.constant 880 : index
        %get3A_672 = tpu.vector_load %arg5[%get3A_670, %get3A_671] {strides = array<i32>} : memref<8x1024xf32, #tpu.memory_space<vmem>>, vector<1x16xf32>,
        %get3A_673 = vector.shape_cast %get3A_672 : vector<1x16xf32> to vector<16xf32>
        %swap3A_674 = arith.index_cast %scan3A_110 : i32 to index
        %swap3A_675 = arith.index_cast %scan3A_120 : i32 to index
        %swap3A_676 = arith.constant 880 : index
        %swap3A_677 = tpu.vector_load %arg7[%swap3A_674, %swap3A_675, %swap3A_676] {strides = array<i32>} : memref<4x8x1024xf32, #tpu.memory_space<vmem>>, vector<1x1x16xf32>,
        %swap3A_678 = vector.shape_cast %swap3A_677 : vector<1x1x16xf32> to vector<16xf32>
        %swap3A_679 = vector.shape_cast %get3A_673 : vector<16xf32> to vector<1x1x16xf32>
        tpu.vector_store %arg7[%swap3A_674, %swap3A_675, %swap3A_676], %swap3A_679 {add = true, strides = array<i32>} : memref<4x8x1024xf32, #tpu.memory_space<vmem>>, vector<1x1x16xf32>,
        %get3A_680 = arith.index_cast %scan3A_120 : i32 to index
        %get3A_681 = arith.constant 896 : index
        %get3A_682 = tpu.vector_load %arg5[%get3A_680, %get3A_681] {strides = array<i32>} : memref<8x1024xf32, #tpu.memory_space<vmem>>, vector<1x16xf32>,
        %get3A_683 = vector.shape_cast %get3A_682 : vector<1x16xf32> to vector<16xf32>
        %swap3A_684 = arith.index_cast %scan3A_110 : i32 to index
        %swap3A_685 = arith.index_cast %scan3A_120 : i32 to index
        %swap3A_686 = arith.constant 896 : index
        %swap3A_687 = tpu.vector_load %arg7[%swap3A_684, %swap3A_685, %swap3A_686] {strides = array<i32>} : memref<4x8x1024xf32, #tpu.memory_space<vmem>>, vector<1x1x16xf32>,
        %swap3A_688 = vector.shape_cast %swap3A_687 : vector<1x1x16xf32> to vector<16xf32>
        %swap3A_689 = vector.shape_cast %get3A_683 : vector<16xf32> to vector<1x1x16xf32>
        tpu.vector_store %arg7[%swap3A_684, %swap3A_685, %swap3A_686], %swap3A_689 {add = true, strides = array<i32>} : memref<4x8x1024xf32, #tpu.memory_space<vmem>>, vector<1x1x16xf32>,
        %get3A_690 = arith.index_cast %scan3A_120 : i32 to index
        %get3A_691 = arith.constant 912 : index
        %get3A_692 = tpu.vector_load %arg5[%get3A_690, %get3A_691] {strides = array<i32>} : memref<8x1024xf32, #tpu.memory_space<vmem>>, vector<1x16xf32>,
        %get3A_693 = vector.shape_cast %get3A_692 : vector<1x16xf32> to vector<16xf32>
        %swap3A_694 = arith.index_cast %scan3A_110 : i32 to index
        %swap3A_695 = arith.index_cast %scan3A_120 : i32 to index
        %swap3A_696 = arith.constant 912 : index
        %swap3A_697 = tpu.vector_load %arg7[%swap3A_694, %swap3A_695, %swap3A_696] {strides = array<i32>} : memref<4x8x1024xf32, #tpu.memory_space<vmem>>, vector<1x1x16xf32>,
        %swap3A_698 = vector.shape_cast %swap3A_697 : vector<1x1x16xf32> to vector<16xf32>
        %swap3A_699 = vector.shape_cast %get3A_693 : vector<16xf32> to vector<1x1x16xf32>
        tpu.vector_store %arg7[%swap3A_694, %swap3A_695, %swap3A_696], %swap3A_699 {add = true, strides = array<i32>} : memref<4x8x1024xf32, #tpu.memory_space<vmem>>, vector<1x1x16xf32>,
        %get3A_700 = arith.index_cast %scan3A_120 : i32 to index
        %get3A_701 = arith.constant 928 : index
        %get3A_702 = tpu.vector_load %arg5[%get3A_700, %get3A_701] {strides = array<i32>} : memref<8x1024xf32, #tpu.memory_space<vmem>>, vector<1x16xf32>,
        %get3A_703 = vector.shape_cast %get3A_702 : vector<1x16xf32> to vector<16xf32>
        %swap3A_704 = arith.index_cast %scan3A_110 : i32 to index
        %swap3A_705 = arith.index_cast %scan3A_120 : i32 to index
        %swap3A_706 = arith.constant 928 : index
        %swap3A_707 = tpu.vector_load %arg7[%swap3A_704, %swap3A_705, %swap3A_706] {strides = array<i32>} : memref<4x8x1024xf32, #tpu.memory_space<vmem>>, vector<1x1x16xf32>,
        %swap3A_708 = vector.shape_cast %swap3A_707 : vector<1x1x16xf32> to vector<16xf32>
        %swap3A_709 = vector.shape_cast %get3A_703 : vector<16xf32> to vector<1x1x16xf32>
        tpu.vector_store %arg7[%swap3A_704, %swap3A_705, %swap3A_706], %swap3A_709 {add = true, strides = array<i32>} : memref<4x8x1024xf32, #tpu.memory_space<vmem>>, vector<1x1x16xf32>,
        %get3A_710 = arith.index_cast %scan3A_120 : i32 to index
        %get3A_711 = arith.constant 944 : index
        %get3A_712 = tpu.vector_load %arg5[%get3A_710, %get3A_711] {strides = array<i32>} : memref<8x1024xf32, #tpu.memory_space<vmem>>, vector<1x16xf32>,
        %get3A_713 = vector.shape_cast %get3A_712 : vector<1x16xf32> to vector<16xf32>
        %swap3A_714 = arith.index_cast %scan3A_110 : i32 to index
        %swap3A_715 = arith.index_cast %scan3A_120 : i32 to index
        %swap3A_716 = arith.constant 944 : index
        %swap3A_717 = tpu.vector_load %arg7[%swap3A_714, %swap3A_715, %swap3A_716] {strides = array<i32>} : memref<4x8x1024xf32, #tpu.memory_space<vmem>>, vector<1x1x16xf32>,
        %swap3A_718 = vector.shape_cast %swap3A_717 : vector<1x1x16xf32> to vector<16xf32>
        %swap3A_719 = vector.shape_cast %get3A_713 : vector<16xf32> to vector<1x1x16xf32>
        tpu.vector_store %arg7[%swap3A_714, %swap3A_715, %swap3A_716], %swap3A_719 {add = true, strides = array<i32>} : memref<4x8x1024xf32, #tpu.memory_space<vmem>>, vector<1x1x16xf32>,
        %get3A_720 = arith.index_cast %scan3A_120 : i32 to index
        %get3A_721 = arith.constant 960 : index
        %get3A_722 = tpu.vector_load %arg5[%get3A_720, %get3A_721] {strides = array<i32>} : memref<8x1024xf32, #tpu.memory_space<vmem>>, vector<1x16xf32>,
        %get3A_723 = vector.shape_cast %get3A_722 : vector<1x16xf32> to vector<16xf32>
        %swap3A_724 = arith.index_cast %scan3A_110 : i32 to index
        %swap3A_725 = arith.index_cast %scan3A_120 : i32 to index
        %swap3A_726 = arith.constant 960 : index
        %swap3A_727 = tpu.vector_load %arg7[%swap3A_724, %swap3A_725, %swap3A_726] {strides = array<i32>} : memref<4x8x1024xf32, #tpu.memory_space<vmem>>, vector<1x1x16xf32>,
        %swap3A_728 = vector.shape_cast %swap3A_727 : vector<1x1x16xf32> to vector<16xf32>
        %swap3A_729 = vector.shape_cast %get3A_723 : vector<16xf32> to vector<1x1x16xf32>
        tpu.vector_store %arg7[%swap3A_724, %swap3A_725, %swap3A_726], %swap3A_729 {add = true, strides = array<i32>} : memref<4x8x1024xf32, #tpu.memory_space<vmem>>, vector<1x1x16xf32>,
        %get3A_730 = arith.index_cast %scan3A_120 : i32 to index
        %get3A_731 = arith.constant 976 : index
        %get3A_732 = tpu.vector_load %arg5[%get3A_730, %get3A_731] {strides = array<i32>} : memref<8x1024xf32, #tpu.memory_space<vmem>>, vector<1x16xf32>,
        %get3A_733 = vector.shape_cast %get3A_732 : vector<1x16xf32> to vector<16xf32>
        %swap3A_734 = arith.index_cast %scan3A_110 : i32 to index
        %swap3A_735 = arith.index_cast %scan3A_120 : i32 to index
        %swap3A_736 = arith.constant 976 : index
        %swap3A_737 = tpu.vector_load %arg7[%swap3A_734, %swap3A_735, %swap3A_736] {strides = array<i32>} : memref<4x8x1024xf32, #tpu.memory_space<vmem>>, vector<1x1x16xf32>,
        %swap3A_738 = vector.shape_cast %swap3A_737 : vector<1x1x16xf32> to vector<16xf32>
        %swap3A_739 = vector.shape_cast %get3A_733 : vector<16xf32> to vector<1x1x16xf32>
        tpu.vector_store %arg7[%swap3A_734, %swap3A_735, %swap3A_736], %swap3A_739 {add = true, strides = array<i32>} : memref<4x8x1024xf32, #tpu.memory_space<vmem>>, vector<1x1x16xf32>,
        %get3A_740 = arith.index_cast %scan3A_120 : i32 to index
        %get3A_741 = arith.constant 992 : index
        %get3A_742 = tpu.vector_load %arg5[%get3A_740, %get3A_741] {strides = array<i32>} : memref<8x1024xf32, #tpu.memory_space<vmem>>, vector<1x16xf32>,
        %get3A_743 = vector.shape_cast %get3A_742 : vector<1x16xf32> to vector<16xf32>
        %swap3A_744 = arith.index_cast %scan3A_110 : i32 to index
        %swap3A_745 = arith.index_cast %scan3A_120 : i32 to index
        %swap3A_746 = arith.constant 992 : index
        %swap3A_747 = tpu.vector_load %arg7[%swap3A_744, %swap3A_745, %swap3A_746] {strides = array<i32>} : memref<4x8x1024xf32, #tpu.memory_space<vmem>>, vector<1x1x16xf32>,
        %swap3A_748 = vector.shape_cast %swap3A_747 : vector<1x1x16xf32> to vector<16xf32>
        %swap3A_749 = vector.shape_cast %get3A_743 : vector<16xf32> to vector<1x1x16xf32>
        tpu.vector_store %arg7[%swap3A_744, %swap3A_745, %swap3A_746], %swap3A_749 {add = true, strides = array<i32>} : memref<4x8x1024xf32, #tpu.memory_space<vmem>>, vector<1x1x16xf32>,
        %get3A_750 = arith.index_cast %scan3A_120 : i32 to index
        %get3A_751 = arith.constant 1008 : index
        %get3A_752 = tpu.vector_load %arg5[%get3A_750, %get3A_751] {strides = array<i32>} : memref<8x1024xf32, #tpu.memory_space<vmem>>, vector<1x16xf32>,
        %get3A_753 = vector.shape_cast %get3A_752 : vector<1x16xf32> to vector<16xf32>
        %swap3A_754 = arith.index_cast %scan3A_110 : i32 to index
        %swap3A_755 = arith.index_cast %scan3A_120 : i32 to index
        %swap3A_756 = arith.constant 1008 : index
        %swap3A_757 = tpu.vector_load %arg7[%swap3A_754, %swap3A_755, %swap3A_756] {strides = array<i32>} : memref<4x8x1024xf32, #tpu.memory_space<vmem>>, vector<1x1x16xf32>,
        %swap3A_758 = vector.shape_cast %swap3A_757 : vector<1x1x16xf32> to vector<16xf32>
        %swap3A_759 = vector.shape_cast %get3A_753 : vector<16xf32> to vector<1x1x16xf32>
        tpu.vector_store %arg7[%swap3A_754, %swap3A_755, %swap3A_756], %swap3A_759 {add = true, strides = array<i32>} : memref<4x8x1024xf32, #tpu.memory_space<vmem>>, vector<1x1x16xf32>,
        %scan3A_760 = arith.constant 0 : i32
        scf.yield %scan3A_760 : i32
      }
      %scan3A_118 = arith.constant 8 : i32
      %scan3A_119 = arith.constant 0 : i32
      scf.yield %scan3A_119 : i32
    }
    %scan3A_56 = arith.constant 4 : i32
    %add3A_57 = arith.constant 0 : i32
    %add3A_58 = arith.addi %mul3A_2, %add3A_57 : i32
    %add3A_59 = arith.constant 3584 : i32
    %add3A_60 = arith.addi %add3A_59, %add3A_58 : i32
    %dma_start3A_61 = arith.constant 0 : i32
    %dma_start3A_62 = arith.constant 0 : i32
    %dma_start3A_63 = tpu.memref_slice %arg4[%dma_start3A_61, %add3A_60, %dma_start3A_62] : memref<4x4096x1024xf32, #tpu.memory_space<hbm>> -> memref<4x8x1024xf32, #tpu.memory_space<hbm>>
    %dma_start3A_64 = arith.constant 0 : i32
    %dma_start3A_65 = arith.constant 0 : i32
    %dma_start3A_66 = tpu.memref_slice %arg4[%dma_start3A_64, %add3A_60, %dma_start3A_65] : memref<4x4096x1024xf32, #tpu.memory_space<hbm>> -> memref<4x8x1024xf32, #tpu.memory_space<hbm>>
    tpu.enqueue_dma source(%arg7 : memref<4x8x1024xf32, #tpu.memory_space<vmem>>) target(%dma_start3A_66 : memref<4x8x1024xf32, #tpu.memory_space<hbm>>) target_semaphore(%arg15 : memref<!tpu.dma_semaphore, #tpu.memory_space<semaphore_mem>>)
    %add3A_67 = arith.constant 8 : i32
    %add3A_68 = arith.addi %mul3A_2, %add3A_67 : i32
    %add3A_69 = arith.constant 3584 : i32
    %add3A_70 = arith.addi %add3A_69, %add3A_68 : i32
    %dma_wait3A_71 = arith.constant 0 : i32
    %dma_wait3A_72 = tpu.memref_slice %arg2[%add3A_70, %dma_wait3A_71] : memref<4096x1024xf32, #tpu.memory_space<hbm>> -> memref<8x1024xf32, #tpu.memory_space<hbm>>
    %dma_wait3A_73 = arith.constant 0 : i32
    %dma_wait3A_74 = tpu.memref_slice %arg2[%add3A_70, %dma_wait3A_73] : memref<4096x1024xf32, #tpu.memory_space<hbm>> -> memref<8x1024xf32, #tpu.memory_space<hbm>>
    tpu.wait_dma2 semaphore(%arg11 : memref<!tpu.dma_semaphore, #tpu.memory_space<semaphore_mem>>) src(%dma_wait3A_74 : memref<8x1024xf32, #tpu.memory_space<hbm>>) dst(%arg6 : memref<8x1024xf32, #tpu.memory_space<vmem>>)
    %dma_wait3A_75 = arith.constant 0 : i32
    %dma_wait3A_76 = arith.constant 0 : i32
    %dma_wait3A_77 = tpu.memref_slice %arg3[%dma_wait3A_75, %add3A_31, %dma_wait3A_76] : memref<4x4096x1024xf32, #tpu.memory_space<hbm>> -> memref<4x8x1024xf32, #tpu.memory_space<hbm>>
    %dma_wait3A_78 = arith.constant 0 : i32
    %dma_wait3A_79 = arith.constant 0 : i32
    %dma_wait3A_80 = tpu.memref_slice %arg3[%dma_wait3A_78, %add3A_31, %dma_wait3A_79] : memref<4x4096x1024xf32, #tpu.memory_space<hbm>> -> memref<4x8x1024xf32, #tpu.memory_space<hbm>>
    tpu.wait_dma2 semaphore(%arg13 : memref<!tpu.dma_semaphore, #tpu.memory_space<semaphore_mem>>) src(%dma_wait3A_80 : memref<4x8x1024xf32, #tpu.memory_space<hbm>>) dst(%arg8 : memref<4x8x1024xf32, #tpu.memory_space<vmem>>)
    %scan3A_81 = arith.constant 0 : i32
    %scan3A_82 = arith.constant 0 : i32
    %scan3A_83 = arith.constant 4 : i32
    %scan3A_84 = arith.addi %scan3A_82, %scan3A_83 : i32
    %scan3A_85 = arith.constant 1 : i32
    %scan3A_86 = scf.for %scan3A_110 = %scan3A_82 to %scan3A_84 step %scan3A_85 iter_args(%scan3A_111 = %scan3A_81) -> (i32)  : i32 {
      %scan3A_112 = arith.constant 0 : i32
      %scan3A_113 = arith.constant 0 : i32
      %scan3A_114 = arith.constant 8 : i32
      %scan3A_115 = arith.addi %scan3A_113, %scan3A_114 : i32
      %scan3A_116 = arith.constant 1 : i32
      %scan3A_117 = scf.for %scan3A_120 = %scan3A_113 to %scan3A_115 step %scan3A_116 iter_args(%scan3A_121 = %scan3A_112) -> (i32)  : i32 {
        %get3A = arith.index_cast %scan3A_120 : i32 to index
        %get3A_122 = arith.constant 0 : index
        %get3A_123 = tpu.vector_load %arg6[%get3A, %get3A_122] {strides = array<i32>} : memref<8x1024xf32, #tpu.memory_space<vmem>>, vector<1x16xf32>,
        %get3A_124 = vector.shape_cast %get3A_123 : vector<1x16xf32> to vector<16xf32>
        %swap3A = arith.index_cast %scan3A_110 : i32 to index
        %swap3A_125 = arith.index_cast %scan3A_120 : i32 to index
        %swap3A_126 = arith.constant 0 : index
        %swap3A_127 = tpu.vector_load %arg8[%swap3A, %swap3A_125, %swap3A_126] {strides = array<i32>} : memref<4x8x1024xf32, #tpu.memory_space<vmem>>, vector<1x1x16xf32>,
        %swap3A_128 = vector.shape_cast %swap3A_127 : vector<1x1x16xf32> to vector<16xf32>
        %swap3A_129 = vector.shape_cast %get3A_124 : vector<16xf32> to vector<1x1x16xf32>
        tpu.vector_store %arg8[%swap3A, %swap3A_125, %swap3A_126], %swap3A_129 {add = true, strides = array<i32>} : memref<4x8x1024xf32, #tpu.memory_space<vmem>>, vector<1x1x16xf32>,
        %get3A_130 = arith.index_cast %scan3A_120 : i32 to index
        %get3A_131 = arith.constant 16 : index
        %get3A_132 = tpu.vector_load %arg6[%get3A_130, %get3A_131] {strides = array<i32>} : memref<8x1024xf32, #tpu.memory_space<vmem>>, vector<1x16xf32>,
        %get3A_133 = vector.shape_cast %get3A_132 : vector<1x16xf32> to vector<16xf32>
        %swap3A_134 = arith.index_cast %scan3A_110 : i32 to index
        %swap3A_135 = arith.index_cast %scan3A_120 : i32 to index
        %swap3A_136 = arith.constant 16 : index
        %swap3A_137 = tpu.vector_load %arg8[%swap3A_134, %swap3A_135, %swap3A_136] {strides = array<i32>} : memref<4x8x1024xf32, #tpu.memory_space<vmem>>, vector<1x1x16xf32>,
        %swap3A_138 = vector.shape_cast %swap3A_137 : vector<1x1x16xf32> to vector<16xf32>
        %swap3A_139 = vector.shape_cast %get3A_133 : vector<16xf32> to vector<1x1x16xf32>
        tpu.vector_store %arg8[%swap3A_134, %swap3A_135, %swap3A_136], %swap3A_139 {add = true, strides = array<i32>} : memref<4x8x1024xf32, #tpu.memory_space<vmem>>, vector<1x1x16xf32>,
        %get3A_140 = arith.index_cast %scan3A_120 : i32 to index
        %get3A_141 = arith.constant 32 : index
        %get3A_142 = tpu.vector_load %arg6[%get3A_140, %get3A_141] {strides = array<i32>} : memref<8x1024xf32, #tpu.memory_space<vmem>>, vector<1x16xf32>,
        %get3A_143 = vector.shape_cast %get3A_142 : vector<1x16xf32> to vector<16xf32>
        %swap3A_144 = arith.index_cast %scan3A_110 : i32 to index
        %swap3A_145 = arith.index_cast %scan3A_120 : i32 to index
        %swap3A_146 = arith.constant 32 : index
        %swap3A_147 = tpu.vector_load %arg8[%swap3A_144, %swap3A_145, %swap3A_146] {strides = array<i32>} : memref<4x8x1024xf32, #tpu.memory_space<vmem>>, vector<1x1x16xf32>,
        %swap3A_148 = vector.shape_cast %swap3A_147 : vector<1x1x16xf32> to vector<16xf32>
        %swap3A_149 = vector.shape_cast %get3A_143 : vector<16xf32> to vector<1x1x16xf32>
        tpu.vector_store %arg8[%swap3A_144, %swap3A_145, %swap3A_146], %swap3A_149 {add = true, strides = array<i32>} : memref<4x8x1024xf32, #tpu.memory_space<vmem>>, vector<1x1x16xf32>,
        %get3A_150 = arith.index_cast %scan3A_120 : i32 to index
        %get3A_151 = arith.constant 48 : index
        %get3A_152 = tpu.vector_load %arg6[%get3A_150, %get3A_151] {strides = array<i32>} : memref<8x1024xf32, #tpu.memory_space<vmem>>, vector<1x16xf32>,
        %get3A_153 = vector.shape_cast %get3A_152 : vector<1x16xf32> to vector<16xf32>
        %swap3A_154 = arith.index_cast %scan3A_110 : i32 to index
        %swap3A_155 = arith.index_cast %scan3A_120 : i32 to index
        %swap3A_156 = arith.constant 48 : index
        %swap3A_157 = tpu.vector_load %arg8[%swap3A_154, %swap3A_155, %swap3A_156] {strides = array<i32>} : memref<4x8x1024xf32, #tpu.memory_space<vmem>>, vector<1x1x16xf32>,
        %swap3A_158 = vector.shape_cast %swap3A_157 : vector<1x1x16xf32> to vector<16xf32>
        %swap3A_159 = vector.shape_cast %get3A_153 : vector<16xf32> to vector<1x1x16xf32>
        tpu.vector_store %arg8[%swap3A_154, %swap3A_155, %swap3A_156], %swap3A_159 {add = true, strides = array<i32>} : memref<4x8x1024xf32, #tpu.memory_space<vmem>>, vector<1x1x16xf32>,
        %get3A_160 = arith.index_cast %scan3A_120 : i32 to index
        %get3A_161 = arith.constant 64 : index
        %get3A_162 = tpu.vector_load %arg6[%get3A_160, %get3A_161] {strides = array<i32>} : memref<8x1024xf32, #tpu.memory_space<vmem>>, vector<1x16xf32>,
        %get3A_163 = vector.shape_cast %get3A_162 : vector<1x16xf32> to vector<16xf32>
        %swap3A_164 = arith.index_cast %scan3A_110 : i32 to index
        %swap3A_165 = arith.index_cast %scan3A_120 : i32 to index
        %swap3A_166 = arith.constant 64 : index
        %swap3A_167 = tpu.vector_load %arg8[%swap3A_164, %swap3A_165, %swap3A_166] {strides = array<i32>} : memref<4x8x1024xf32, #tpu.memory_space<vmem>>, vector<1x1x16xf32>,
        %swap3A_168 = vector.shape_cast %swap3A_167 : vector<1x1x16xf32> to vector<16xf32>
        %swap3A_169 = vector.shape_cast %get3A_163 : vector<16xf32> to vector<1x1x16xf32>
        tpu.vector_store %arg8[%swap3A_164, %swap3A_165, %swap3A_166], %swap3A_169 {add = true, strides = array<i32>} : memref<4x8x1024xf32, #tpu.memory_space<vmem>>, vector<1x1x16xf32>,
        %get3A_170 = arith.index_cast %scan3A_120 : i32 to index
        %get3A_171 = arith.constant 80 : index
        %get3A_172 = tpu.vector_load %arg6[%get3A_170, %get3A_171] {strides = array<i32>} : memref<8x1024xf32, #tpu.memory_space<vmem>>, vector<1x16xf32>,
        %get3A_173 = vector.shape_cast %get3A_172 : vector<1x16xf32> to vector<16xf32>
        %swap3A_174 = arith.index_cast %scan3A_110 : i32 to index
        %swap3A_175 = arith.index_cast %scan3A_120 : i32 to index
        %swap3A_176 = arith.constant 80 : index
        %swap3A_177 = tpu.vector_load %arg8[%swap3A_174, %swap3A_175, %swap3A_176] {strides = array<i32>} : memref<4x8x1024xf32, #tpu.memory_space<vmem>>, vector<1x1x16xf32>,
        %swap3A_178 = vector.shape_cast %swap3A_177 : vector<1x1x16xf32> to vector<16xf32>
        %swap3A_179 = vector.shape_cast %get3A_173 : vector<16xf32> to vector<1x1x16xf32>
        tpu.vector_store %arg8[%swap3A_174, %swap3A_175, %swap3A_176], %swap3A_179 {add = true, strides = array<i32>} : memref<4x8x1024xf32, #tpu.memory_space<vmem>>, vector<1x1x16xf32>,
        %get3A_180 = arith.index_cast %scan3A_120 : i32 to index
        %get3A_181 = arith.constant 96 : index
        %get3A_182 = tpu.vector_load %arg6[%get3A_180, %get3A_181] {strides = array<i32>} : memref<8x1024xf32, #tpu.memory_space<vmem>>, vector<1x16xf32>,
        %get3A_183 = vector.shape_cast %get3A_182 : vector<1x16xf32> to vector<16xf32>
        %swap3A_184 = arith.index_cast %scan3A_110 : i32 to index
        %swap3A_185 = arith.index_cast %scan3A_120 : i32 to index
        %swap3A_186 = arith.constant 96 : index
        %swap3A_187 = tpu.vector_load %arg8[%swap3A_184, %swap3A_185, %swap3A_186] {strides = array<i32>} : memref<4x8x1024xf32, #tpu.memory_space<vmem>>, vector<1x1x16xf32>,
        %swap3A_188 = vector.shape_cast %swap3A_187 : vector<1x1x16xf32> to vector<16xf32>
        %swap3A_189 = vector.shape_cast %get3A_183 : vector<16xf32> to vector<1x1x16xf32>
        tpu.vector_store %arg8[%swap3A_184, %swap3A_185, %swap3A_186], %swap3A_189 {add = true, strides = array<i32>} : memref<4x8x1024xf32, #tpu.memory_space<vmem>>, vector<1x1x16xf32>,
        %get3A_190 = arith.index_cast %scan3A_120 : i32 to index
        %get3A_191 = arith.constant 112 : index
        %get3A_192 = tpu.vector_load %arg6[%get3A_190, %get3A_191] {strides = array<i32>} : memref<8x1024xf32, #tpu.memory_space<vmem>>, vector<1x16xf32>,
        %get3A_193 = vector.shape_cast %get3A_192 : vector<1x16xf32> to vector<16xf32>
        %swap3A_194 = arith.index_cast %scan3A_110 : i32 to index
        %swap3A_195 = arith.index_cast %scan3A_120 : i32 to index
        %swap3A_196 = arith.constant 112 : index
        %swap3A_197 = tpu.vector_load %arg8[%swap3A_194, %swap3A_195, %swap3A_196] {strides = array<i32>} : memref<4x8x1024xf32, #tpu.memory_space<vmem>>, vector<1x1x16xf32>,
        %swap3A_198 = vector.shape_cast %swap3A_197 : vector<1x1x16xf32> to vector<16xf32>
        %swap3A_199 = vector.shape_cast %get3A_193 : vector<16xf32> to vector<1x1x16xf32>
        tpu.vector_store %arg8[%swap3A_194, %swap3A_195, %swap3A_196], %swap3A_199 {add = true, strides = array<i32>} : memref<4x8x1024xf32, #tpu.memory_space<vmem>>, vector<1x1x16xf32>,
        %get3A_200 = arith.index_cast %scan3A_120 : i32 to index
        %get3A_201 = arith.constant 128 : index
        %get3A_202 = tpu.vector_load %arg6[%get3A_200, %get3A_201] {strides = array<i32>} : memref<8x1024xf32, #tpu.memory_space<vmem>>, vector<1x16xf32>,
        %get3A_203 = vector.shape_cast %get3A_202 : vector<1x16xf32> to vector<16xf32>
        %swap3A_204 = arith.index_cast %scan3A_110 : i32 to index
        %swap3A_205 = arith.index_cast %scan3A_120 : i32 to index
        %swap3A_206 = arith.constant 128 : index
        %swap3A_207 = tpu.vector_load %arg8[%swap3A_204, %swap3A_205, %swap3A_206] {strides = array<i32>} : memref<4x8x1024xf32, #tpu.memory_space<vmem>>, vector<1x1x16xf32>,
        %swap3A_208 = vector.shape_cast %swap3A_207 : vector<1x1x16xf32> to vector<16xf32>
        %swap3A_209 = vector.shape_cast %get3A_203 : vector<16xf32> to vector<1x1x16xf32>
        tpu.vector_store %arg8[%swap3A_204, %swap3A_205, %swap3A_206], %swap3A_209 {add = true, strides = array<i32>} : memref<4x8x1024xf32, #tpu.memory_space<vmem>>, vector<1x1x16xf32>,
        %get3A_210 = arith.index_cast %scan3A_120 : i32 to index
        %get3A_211 = arith.constant 144 : index
        %get3A_212 = tpu.vector_load %arg6[%get3A_210, %get3A_211] {strides = array<i32>} : memref<8x1024xf32, #tpu.memory_space<vmem>>, vector<1x16xf32>,
        %get3A_213 = vector.shape_cast %get3A_212 : vector<1x16xf32> to vector<16xf32>
        %swap3A_214 = arith.index_cast %scan3A_110 : i32 to index
        %swap3A_215 = arith.index_cast %scan3A_120 : i32 to index
        %swap3A_216 = arith.constant 144 : index
        %swap3A_217 = tpu.vector_load %arg8[%swap3A_214, %swap3A_215, %swap3A_216] {strides = array<i32>} : memref<4x8x1024xf32, #tpu.memory_space<vmem>>, vector<1x1x16xf32>,
        %swap3A_218 = vector.shape_cast %swap3A_217 : vector<1x1x16xf32> to vector<16xf32>
        %swap3A_219 = vector.shape_cast %get3A_213 : vector<16xf32> to vector<1x1x16xf32>
        tpu.vector_store %arg8[%swap3A_214, %swap3A_215, %swap3A_216], %swap3A_219 {add = true, strides = array<i32>} : memref<4x8x1024xf32, #tpu.memory_space<vmem>>, vector<1x1x16xf32>,
        %get3A_220 = arith.index_cast %scan3A_120 : i32 to index
        %get3A_221 = arith.constant 160 : index
        %get3A_222 = tpu.vector_load %arg6[%get3A_220, %get3A_221] {strides = array<i32>} : memref<8x1024xf32, #tpu.memory_space<vmem>>, vector<1x16xf32>,
        %get3A_223 = vector.shape_cast %get3A_222 : vector<1x16xf32> to vector<16xf32>
        %swap3A_224 = arith.index_cast %scan3A_110 : i32 to index
        %swap3A_225 = arith.index_cast %scan3A_120 : i32 to index
        %swap3A_226 = arith.constant 160 : index
        %swap3A_227 = tpu.vector_load %arg8[%swap3A_224, %swap3A_225, %swap3A_226] {strides = array<i32>} : memref<4x8x1024xf32, #tpu.memory_space<vmem>>, vector<1x1x16xf32>,
        %swap3A_228 = vector.shape_cast %swap3A_227 : vector<1x1x16xf32> to vector<16xf32>
        %swap3A_229 = vector.shape_cast %get3A_223 : vector<16xf32> to vector<1x1x16xf32>
        tpu.vector_store %arg8[%swap3A_224, %swap3A_225, %swap3A_226], %swap3A_229 {add = true, strides = array<i32>} : memref<4x8x1024xf32, #tpu.memory_space<vmem>>, vector<1x1x16xf32>,
        %get3A_230 = arith.index_cast %scan3A_120 : i32 to index
        %get3A_231 = arith.constant 176 : index
        %get3A_232 = tpu.vector_load %arg6[%get3A_230, %get3A_231] {strides = array<i32>} : memref<8x1024xf32, #tpu.memory_space<vmem>>, vector<1x16xf32>,
        %get3A_233 = vector.shape_cast %get3A_232 : vector<1x16xf32> to vector<16xf32>
        %swap3A_234 = arith.index_cast %scan3A_110 : i32 to index
        %swap3A_235 = arith.index_cast %scan3A_120 : i32 to index
        %swap3A_236 = arith.constant 176 : index
        %swap3A_237 = tpu.vector_load %arg8[%swap3A_234, %swap3A_235, %swap3A_236] {strides = array<i32>} : memref<4x8x1024xf32, #tpu.memory_space<vmem>>, vector<1x1x16xf32>,
        %swap3A_238 = vector.shape_cast %swap3A_237 : vector<1x1x16xf32> to vector<16xf32>
        %swap3A_239 = vector.shape_cast %get3A_233 : vector<16xf32> to vector<1x1x16xf32>
        tpu.vector_store %arg8[%swap3A_234, %swap3A_235, %swap3A_236], %swap3A_239 {add = true, strides = array<i32>} : memref<4x8x1024xf32, #tpu.memory_space<vmem>>, vector<1x1x16xf32>,
        %get3A_240 = arith.index_cast %scan3A_120 : i32 to index
        %get3A_241 = arith.constant 192 : index
        %get3A_242 = tpu.vector_load %arg6[%get3A_240, %get3A_241] {strides = array<i32>} : memref<8x1024xf32, #tpu.memory_space<vmem>>, vector<1x16xf32>,
        %get3A_243 = vector.shape_cast %get3A_242 : vector<1x16xf32> to vector<16xf32>
        %swap3A_244 = arith.index_cast %scan3A_110 : i32 to index
        %swap3A_245 = arith.index_cast %scan3A_120 : i32 to index
        %swap3A_246 = arith.constant 192 : index
        %swap3A_247 = tpu.vector_load %arg8[%swap3A_244, %swap3A_245, %swap3A_246] {strides = array<i32>} : memref<4x8x1024xf32, #tpu.memory_space<vmem>>, vector<1x1x16xf32>,
        %swap3A_248 = vector.shape_cast %swap3A_247 : vector<1x1x16xf32> to vector<16xf32>
        %swap3A_249 = vector.shape_cast %get3A_243 : vector<16xf32> to vector<1x1x16xf32>
        tpu.vector_store %arg8[%swap3A_244, %swap3A_245, %swap3A_246], %swap3A_249 {add = true, strides = array<i32>} : memref<4x8x1024xf32, #tpu.memory_space<vmem>>, vector<1x1x16xf32>,
        %get3A_250 = arith.index_cast %scan3A_120 : i32 to index
        %get3A_251 = arith.constant 208 : index
        %get3A_252 = tpu.vector_load %arg6[%get3A_250, %get3A_251] {strides = array<i32>} : memref<8x1024xf32, #tpu.memory_space<vmem>>, vector<1x16xf32>,
        %get3A_253 = vector.shape_cast %get3A_252 : vector<1x16xf32> to vector<16xf32>
        %swap3A_254 = arith.index_cast %scan3A_110 : i32 to index
        %swap3A_255 = arith.index_cast %scan3A_120 : i32 to index
        %swap3A_256 = arith.constant 208 : index
        %swap3A_257 = tpu.vector_load %arg8[%swap3A_254, %swap3A_255, %swap3A_256] {strides = array<i32>} : memref<4x8x1024xf32, #tpu.memory_space<vmem>>, vector<1x1x16xf32>,
        %swap3A_258 = vector.shape_cast %swap3A_257 : vector<1x1x16xf32> to vector<16xf32>
        %swap3A_259 = vector.shape_cast %get3A_253 : vector<16xf32> to vector<1x1x16xf32>
        tpu.vector_store %arg8[%swap3A_254, %swap3A_255, %swap3A_256], %swap3A_259 {add = true, strides = array<i32>} : memref<4x8x1024xf32, #tpu.memory_space<vmem>>, vector<1x1x16xf32>,
        %get3A_260 = arith.index_cast %scan3A_120 : i32 to index
        %get3A_261 = arith.constant 224 : index
        %get3A_262 = tpu.vector_load %arg6[%get3A_260, %get3A_261] {strides = array<i32>} : memref<8x1024xf32, #tpu.memory_space<vmem>>, vector<1x16xf32>,
        %get3A_263 = vector.shape_cast %get3A_262 : vector<1x16xf32> to vector<16xf32>
        %swap3A_264 = arith.index_cast %scan3A_110 : i32 to index
        %swap3A_265 = arith.index_cast %scan3A_120 : i32 to index
        %swap3A_266 = arith.constant 224 : index
        %swap3A_267 = tpu.vector_load %arg8[%swap3A_264, %swap3A_265, %swap3A_266] {strides = array<i32>} : memref<4x8x1024xf32, #tpu.memory_space<vmem>>, vector<1x1x16xf32>,
        %swap3A_268 = vector.shape_cast %swap3A_267 : vector<1x1x16xf32> to vector<16xf32>
        %swap3A_269 = vector.shape_cast %get3A_263 : vector<16xf32> to vector<1x1x16xf32>
        tpu.vector_store %arg8[%swap3A_264, %swap3A_265, %swap3A_266], %swap3A_269 {add = true, strides = array<i32>} : memref<4x8x1024xf32, #tpu.memory_space<vmem>>, vector<1x1x16xf32>,
        %get3A_270 = arith.index_cast %scan3A_120 : i32 to index
        %get3A_271 = arith.constant 240 : index
        %get3A_272 = tpu.vector_load %arg6[%get3A_270, %get3A_271] {strides = array<i32>} : memref<8x1024xf32, #tpu.memory_space<vmem>>, vector<1x16xf32>,
        %get3A_273 = vector.shape_cast %get3A_272 : vector<1x16xf32> to vector<16xf32>
        %swap3A_274 = arith.index_cast %scan3A_110 : i32 to index
        %swap3A_275 = arith.index_cast %scan3A_120 : i32 to index
        %swap3A_276 = arith.constant 240 : index
        %swap3A_277 = tpu.vector_load %arg8[%swap3A_274, %swap3A_275, %swap3A_276] {strides = array<i32>} : memref<4x8x1024xf32, #tpu.memory_space<vmem>>, vector<1x1x16xf32>,
        %swap3A_278 = vector.shape_cast %swap3A_277 : vector<1x1x16xf32> to vector<16xf32>
        %swap3A_279 = vector.shape_cast %get3A_273 : vector<16xf32> to vector<1x1x16xf32>
        tpu.vector_store %arg8[%swap3A_274, %swap3A_275, %swap3A_276], %swap3A_279 {add = true, strides = array<i32>} : memref<4x8x1024xf32, #tpu.memory_space<vmem>>, vector<1x1x16xf32>,
        %get3A_280 = arith.index_cast %scan3A_120 : i32 to index
        %get3A_281 = arith.constant 256 : index
        %get3A_282 = tpu.vector_load %arg6[%get3A_280, %get3A_281] {strides = array<i32>} : memref<8x1024xf32, #tpu.memory_space<vmem>>, vector<1x16xf32>,
        %get3A_283 = vector.shape_cast %get3A_282 : vector<1x16xf32> to vector<16xf32>
        %swap3A_284 = arith.index_cast %scan3A_110 : i32 to index
        %swap3A_285 = arith.index_cast %scan3A_120 : i32 to index
        %swap3A_286 = arith.constant 256 : index
        %swap3A_287 = tpu.vector_load %arg8[%swap3A_284, %swap3A_285, %swap3A_286] {strides = array<i32>} : memref<4x8x1024xf32, #tpu.memory_space<vmem>>, vector<1x1x16xf32>,
        %swap3A_288 = vector.shape_cast %swap3A_287 : vector<1x1x16xf32> to vector<16xf32>
        %swap3A_289 = vector.shape_cast %get3A_283 : vector<16xf32> to vector<1x1x16xf32>
        tpu.vector_store %arg8[%swap3A_284, %swap3A_285, %swap3A_286], %swap3A_289 {add = true, strides = array<i32>} : memref<4x8x1024xf32, #tpu.memory_space<vmem>>, vector<1x1x16xf32>,
        %get3A_290 = arith.index_cast %scan3A_120 : i32 to index
        %get3A_291 = arith.constant 272 : index
        %get3A_292 = tpu.vector_load %arg6[%get3A_290, %get3A_291] {strides = array<i32>} : memref<8x1024xf32, #tpu.memory_space<vmem>>, vector<1x16xf32>,
        %get3A_293 = vector.shape_cast %get3A_292 : vector<1x16xf32> to vector<16xf32>
        %swap3A_294 = arith.index_cast %scan3A_110 : i32 to index
        %swap3A_295 = arith.index_cast %scan3A_120 : i32 to index
        %swap3A_296 = arith.constant 272 : index
        %swap3A_297 = tpu.vector_load %arg8[%swap3A_294, %swap3A_295, %swap3A_296] {strides = array<i32>} : memref<4x8x1024xf32, #tpu.memory_space<vmem>>, vector<1x1x16xf32>,
        %swap3A_298 = vector.shape_cast %swap3A_297 : vector<1x1x16xf32> to vector<16xf32>
        %swap3A_299 = vector.shape_cast %get3A_293 : vector<16xf32> to vector<1x1x16xf32>
        tpu.vector_store %arg8[%swap3A_294, %swap3A_295, %swap3A_296], %swap3A_299 {add = true, strides = array<i32>} : memref<4x8x1024xf32, #tpu.memory_space<vmem>>, vector<1x1x16xf32>,
        %get3A_300 = arith.index_cast %scan3A_120 : i32 to index
        %get3A_301 = arith.constant 288 : index
        %get3A_302 = tpu.vector_load %arg6[%get3A_300, %get3A_301] {strides = array<i32>} : memref<8x1024xf32, #tpu.memory_space<vmem>>, vector<1x16xf32>,
        %get3A_303 = vector.shape_cast %get3A_302 : vector<1x16xf32> to vector<16xf32>
        %swap3A_304 = arith.index_cast %scan3A_110 : i32 to index
        %swap3A_305 = arith.index_cast %scan3A_120 : i32 to index
        %swap3A_306 = arith.constant 288 : index
        %swap3A_307 = tpu.vector_load %arg8[%swap3A_304, %swap3A_305, %swap3A_306] {strides = array<i32>} : memref<4x8x1024xf32, #tpu.memory_space<vmem>>, vector<1x1x16xf32>,
        %swap3A_308 = vector.shape_cast %swap3A_307 : vector<1x1x16xf32> to vector<16xf32>
        %swap3A_309 = vector.shape_cast %get3A_303 : vector<16xf32> to vector<1x1x16xf32>
        tpu.vector_store %arg8[%swap3A_304, %swap3A_305, %swap3A_306], %swap3A_309 {add = true, strides = array<i32>} : memref<4x8x1024xf32, #tpu.memory_space<vmem>>, vector<1x1x16xf32>,
        %get3A_310 = arith.index_cast %scan3A_120 : i32 to index
        %get3A_311 = arith.constant 304 : index
        %get3A_312 = tpu.vector_load %arg6[%get3A_310, %get3A_311] {strides = array<i32>} : memref<8x1024xf32, #tpu.memory_space<vmem>>, vector<1x16xf32>,
        %get3A_313 = vector.shape_cast %get3A_312 : vector<1x16xf32> to vector<16xf32>
        %swap3A_314 = arith.index_cast %scan3A_110 : i32 to index
        %swap3A_315 = arith.index_cast %scan3A_120 : i32 to index
        %swap3A_316 = arith.constant 304 : index
        %swap3A_317 = tpu.vector_load %arg8[%swap3A_314, %swap3A_315, %swap3A_316] {strides = array<i32>} : memref<4x8x1024xf32, #tpu.memory_space<vmem>>, vector<1x1x16xf32>,
        %swap3A_318 = vector.shape_cast %swap3A_317 : vector<1x1x16xf32> to vector<16xf32>
        %swap3A_319 = vector.shape_cast %get3A_313 : vector<16xf32> to vector<1x1x16xf32>
        tpu.vector_store %arg8[%swap3A_314, %swap3A_315, %swap3A_316], %swap3A_319 {add = true, strides = array<i32>} : memref<4x8x1024xf32, #tpu.memory_space<vmem>>, vector<1x1x16xf32>,
        %get3A_320 = arith.index_cast %scan3A_120 : i32 to index
        %get3A_321 = arith.constant 320 : index
        %get3A_322 = tpu.vector_load %arg6[%get3A_320, %get3A_321] {strides = array<i32>} : memref<8x1024xf32, #tpu.memory_space<vmem>>, vector<1x16xf32>,
        %get3A_323 = vector.shape_cast %get3A_322 : vector<1x16xf32> to vector<16xf32>
        %swap3A_324 = arith.index_cast %scan3A_110 : i32 to index
        %swap3A_325 = arith.index_cast %scan3A_120 : i32 to index
        %swap3A_326 = arith.constant 320 : index
        %swap3A_327 = tpu.vector_load %arg8[%swap3A_324, %swap3A_325, %swap3A_326] {strides = array<i32>} : memref<4x8x1024xf32, #tpu.memory_space<vmem>>, vector<1x1x16xf32>,
        %swap3A_328 = vector.shape_cast %swap3A_327 : vector<1x1x16xf32> to vector<16xf32>
        %swap3A_329 = vector.shape_cast %get3A_323 : vector<16xf32> to vector<1x1x16xf32>
        tpu.vector_store %arg8[%swap3A_324, %swap3A_325, %swap3A_326], %swap3A_329 {add = true, strides = array<i32>} : memref<4x8x1024xf32, #tpu.memory_space<vmem>>, vector<1x1x16xf32>,
        %get3A_330 = arith.index_cast %scan3A_120 : i32 to index
        %get3A_331 = arith.constant 336 : index
        %get3A_332 = tpu.vector_load %arg6[%get3A_330, %get3A_331] {strides = array<i32>} : memref<8x1024xf32, #tpu.memory_space<vmem>>, vector<1x16xf32>,
        %get3A_333 = vector.shape_cast %get3A_332 : vector<1x16xf32> to vector<16xf32>
        %swap3A_334 = arith.index_cast %scan3A_110 : i32 to index
        %swap3A_335 = arith.index_cast %scan3A_120 : i32 to index
        %swap3A_336 = arith.constant 336 : index
        %swap3A_337 = tpu.vector_load %arg8[%swap3A_334, %swap3A_335, %swap3A_336] {strides = array<i32>} : memref<4x8x1024xf32, #tpu.memory_space<vmem>>, vector<1x1x16xf32>,
        %swap3A_338 = vector.shape_cast %swap3A_337 : vector<1x1x16xf32> to vector<16xf32>
        %swap3A_339 = vector.shape_cast %get3A_333 : vector<16xf32> to vector<1x1x16xf32>
        tpu.vector_store %arg8[%swap3A_334, %swap3A_335, %swap3A_336], %swap3A_339 {add = true, strides = array<i32>} : memref<4x8x1024xf32, #tpu.memory_space<vmem>>, vector<1x1x16xf32>,
        %get3A_340 = arith.index_cast %scan3A_120 : i32 to index
        %get3A_341 = arith.constant 352 : index
        %get3A_342 = tpu.vector_load %arg6[%get3A_340, %get3A_341] {strides = array<i32>} : memref<8x1024xf32, #tpu.memory_space<vmem>>, vector<1x16xf32>,
        %get3A_343 = vector.shape_cast %get3A_342 : vector<1x16xf32> to vector<16xf32>
        %swap3A_344 = arith.index_cast %scan3A_110 : i32 to index
        %swap3A_345 = arith.index_cast %scan3A_120 : i32 to index
        %swap3A_346 = arith.constant 352 : index
        %swap3A_347 = tpu.vector_load %arg8[%swap3A_344, %swap3A_345, %swap3A_346] {strides = array<i32>} : memref<4x8x1024xf32, #tpu.memory_space<vmem>>, vector<1x1x16xf32>,
        %swap3A_348 = vector.shape_cast %swap3A_347 : vector<1x1x16xf32> to vector<16xf32>
        %swap3A_349 = vector.shape_cast %get3A_343 : vector<16xf32> to vector<1x1x16xf32>
        tpu.vector_store %arg8[%swap3A_344, %swap3A_345, %swap3A_346], %swap3A_349 {add = true, strides = array<i32>} : memref<4x8x1024xf32, #tpu.memory_space<vmem>>, vector<1x1x16xf32>,
        %get3A_350 = arith.index_cast %scan3A_120 : i32 to index
        %get3A_351 = arith.constant 368 : index
        %get3A_352 = tpu.vector_load %arg6[%get3A_350, %get3A_351] {strides = array<i32>} : memref<8x1024xf32, #tpu.memory_space<vmem>>, vector<1x16xf32>,
        %get3A_353 = vector.shape_cast %get3A_352 : vector<1x16xf32> to vector<16xf32>
        %swap3A_354 = arith.index_cast %scan3A_110 : i32 to index
        %swap3A_355 = arith.index_cast %scan3A_120 : i32 to index
        %swap3A_356 = arith.constant 368 : index
        %swap3A_357 = tpu.vector_load %arg8[%swap3A_354, %swap3A_355, %swap3A_356] {strides = array<i32>} : memref<4x8x1024xf32, #tpu.memory_space<vmem>>, vector<1x1x16xf32>,
        %swap3A_358 = vector.shape_cast %swap3A_357 : vector<1x1x16xf32> to vector<16xf32>
        %swap3A_359 = vector.shape_cast %get3A_353 : vector<16xf32> to vector<1x1x16xf32>
        tpu.vector_store %arg8[%swap3A_354, %swap3A_355, %swap3A_356], %swap3A_359 {add = true, strides = array<i32>} : memref<4x8x1024xf32, #tpu.memory_space<vmem>>, vector<1x1x16xf32>,
        %get3A_360 = arith.index_cast %scan3A_120 : i32 to index
        %get3A_361 = arith.constant 384 : index
        %get3A_362 = tpu.vector_load %arg6[%get3A_360, %get3A_361] {strides = array<i32>} : memref<8x1024xf32, #tpu.memory_space<vmem>>, vector<1x16xf32>,
        %get3A_363 = vector.shape_cast %get3A_362 : vector<1x16xf32> to vector<16xf32>
        %swap3A_364 = arith.index_cast %scan3A_110 : i32 to index
        %swap3A_365 = arith.index_cast %scan3A_120 : i32 to index
        %swap3A_366 = arith.constant 384 : index
        %swap3A_367 = tpu.vector_load %arg8[%swap3A_364, %swap3A_365, %swap3A_366] {strides = array<i32>} : memref<4x8x1024xf32, #tpu.memory_space<vmem>>, vector<1x1x16xf32>,
        %swap3A_368 = vector.shape_cast %swap3A_367 : vector<1x1x16xf32> to vector<16xf32>
        %swap3A_369 = vector.shape_cast %get3A_363 : vector<16xf32> to vector<1x1x16xf32>
        tpu.vector_store %arg8[%swap3A_364, %swap3A_365, %swap3A_366], %swap3A_369 {add = true, strides = array<i32>} : memref<4x8x1024xf32, #tpu.memory_space<vmem>>, vector<1x1x16xf32>,
        %get3A_370 = arith.index_cast %scan3A_120 : i32 to index
        %get3A_371 = arith.constant 400 : index
        %get3A_372 = tpu.vector_load %arg6[%get3A_370, %get3A_371] {strides = array<i32>} : memref<8x1024xf32, #tpu.memory_space<vmem>>, vector<1x16xf32>,
        %get3A_373 = vector.shape_cast %get3A_372 : vector<1x16xf32> to vector<16xf32>
        %swap3A_374 = arith.index_cast %scan3A_110 : i32 to index
        %swap3A_375 = arith.index_cast %scan3A_120 : i32 to index
        %swap3A_376 = arith.constant 400 : index
        %swap3A_377 = tpu.vector_load %arg8[%swap3A_374, %swap3A_375, %swap3A_376] {strides = array<i32>} : memref<4x8x1024xf32, #tpu.memory_space<vmem>>, vector<1x1x16xf32>,
        %swap3A_378 = vector.shape_cast %swap3A_377 : vector<1x1x16xf32> to vector<16xf32>
        %swap3A_379 = vector.shape_cast %get3A_373 : vector<16xf32> to vector<1x1x16xf32>
        tpu.vector_store %arg8[%swap3A_374, %swap3A_375, %swap3A_376], %swap3A_379 {add = true, strides = array<i32>} : memref<4x8x1024xf32, #tpu.memory_space<vmem>>, vector<1x1x16xf32>,
        %get3A_380 = arith.index_cast %scan3A_120 : i32 to index
        %get3A_381 = arith.constant 416 : index
        %get3A_382 = tpu.vector_load %arg6[%get3A_380, %get3A_381] {strides = array<i32>} : memref<8x1024xf32, #tpu.memory_space<vmem>>, vector<1x16xf32>,
        %get3A_383 = vector.shape_cast %get3A_382 : vector<1x16xf32> to vector<16xf32>
        %swap3A_384 = arith.index_cast %scan3A_110 : i32 to index
        %swap3A_385 = arith.index_cast %scan3A_120 : i32 to index
        %swap3A_386 = arith.constant 416 : index
        %swap3A_387 = tpu.vector_load %arg8[%swap3A_384, %swap3A_385, %swap3A_386] {strides = array<i32>} : memref<4x8x1024xf32, #tpu.memory_space<vmem>>, vector<1x1x16xf32>,
        %swap3A_388 = vector.shape_cast %swap3A_387 : vector<1x1x16xf32> to vector<16xf32>
        %swap3A_389 = vector.shape_cast %get3A_383 : vector<16xf32> to vector<1x1x16xf32>
        tpu.vector_store %arg8[%swap3A_384, %swap3A_385, %swap3A_386], %swap3A_389 {add = true, strides = array<i32>} : memref<4x8x1024xf32, #tpu.memory_space<vmem>>, vector<1x1x16xf32>,
        %get3A_390 = arith.index_cast %scan3A_120 : i32 to index
        %get3A_391 = arith.constant 432 : index
        %get3A_392 = tpu.vector_load %arg6[%get3A_390, %get3A_391] {strides = array<i32>} : memref<8x1024xf32, #tpu.memory_space<vmem>>, vector<1x16xf32>,
        %get3A_393 = vector.shape_cast %get3A_392 : vector<1x16xf32> to vector<16xf32>
        %swap3A_394 = arith.index_cast %scan3A_110 : i32 to index
        %swap3A_395 = arith.index_cast %scan3A_120 : i32 to index
        %swap3A_396 = arith.constant 432 : index
        %swap3A_397 = tpu.vector_load %arg8[%swap3A_394, %swap3A_395, %swap3A_396] {strides = array<i32>} : memref<4x8x1024xf32, #tpu.memory_space<vmem>>, vector<1x1x16xf32>,
        %swap3A_398 = vector.shape_cast %swap3A_397 : vector<1x1x16xf32> to vector<16xf32>
        %swap3A_399 = vector.shape_cast %get3A_393 : vector<16xf32> to vector<1x1x16xf32>
        tpu.vector_store %arg8[%swap3A_394, %swap3A_395, %swap3A_396], %swap3A_399 {add = true, strides = array<i32>} : memref<4x8x1024xf32, #tpu.memory_space<vmem>>, vector<1x1x16xf32>,
        %get3A_400 = arith.index_cast %scan3A_120 : i32 to index
        %get3A_401 = arith.constant 448 : index
        %get3A_402 = tpu.vector_load %arg6[%get3A_400, %get3A_401] {strides = array<i32>} : memref<8x1024xf32, #tpu.memory_space<vmem>>, vector<1x16xf32>,
        %get3A_403 = vector.shape_cast %get3A_402 : vector<1x16xf32> to vector<16xf32>
        %swap3A_404 = arith.index_cast %scan3A_110 : i32 to index
        %swap3A_405 = arith.index_cast %scan3A_120 : i32 to index
        %swap3A_406 = arith.constant 448 : index
        %swap3A_407 = tpu.vector_load %arg8[%swap3A_404, %swap3A_405, %swap3A_406] {strides = array<i32>} : memref<4x8x1024xf32, #tpu.memory_space<vmem>>, vector<1x1x16xf32>,
        %swap3A_408 = vector.shape_cast %swap3A_407 : vector<1x1x16xf32> to vector<16xf32>
        %swap3A_409 = vector.shape_cast %get3A_403 : vector<16xf32> to vector<1x1x16xf32>
        tpu.vector_store %arg8[%swap3A_404, %swap3A_405, %swap3A_406], %swap3A_409 {add = true, strides = array<i32>} : memref<4x8x1024xf32, #tpu.memory_space<vmem>>, vector<1x1x16xf32>,
        %get3A_410 = arith.index_cast %scan3A_120 : i32 to index
        %get3A_411 = arith.constant 464 : index
        %get3A_412 = tpu.vector_load %arg6[%get3A_410, %get3A_411] {strides = array<i32>} : memref<8x1024xf32, #tpu.memory_space<vmem>>, vector<1x16xf32>,
        %get3A_413 = vector.shape_cast %get3A_412 : vector<1x16xf32> to vector<16xf32>
        %swap3A_414 = arith.index_cast %scan3A_110 : i32 to index
        %swap3A_415 = arith.index_cast %scan3A_120 : i32 to index
        %swap3A_416 = arith.constant 464 : index
        %swap3A_417 = tpu.vector_load %arg8[%swap3A_414, %swap3A_415, %swap3A_416] {strides = array<i32>} : memref<4x8x1024xf32, #tpu.memory_space<vmem>>, vector<1x1x16xf32>,
        %swap3A_418 = vector.shape_cast %swap3A_417 : vector<1x1x16xf32> to vector<16xf32>
        %swap3A_419 = vector.shape_cast %get3A_413 : vector<16xf32> to vector<1x1x16xf32>
        tpu.vector_store %arg8[%swap3A_414, %swap3A_415, %swap3A_416], %swap3A_419 {add = true, strides = array<i32>} : memref<4x8x1024xf32, #tpu.memory_space<vmem>>, vector<1x1x16xf32>,
        %get3A_420 = arith.index_cast %scan3A_120 : i32 to index
        %get3A_421 = arith.constant 480 : index
        %get3A_422 = tpu.vector_load %arg6[%get3A_420, %get3A_421] {strides = array<i32>} : memref<8x1024xf32, #tpu.memory_space<vmem>>, vector<1x16xf32>,
        %get3A_423 = vector.shape_cast %get3A_422 : vector<1x16xf32> to vector<16xf32>
        %swap3A_424 = arith.index_cast %scan3A_110 : i32 to index
        %swap3A_425 = arith.index_cast %scan3A_120 : i32 to index
        %swap3A_426 = arith.constant 480 : index
        %swap3A_427 = tpu.vector_load %arg8[%swap3A_424, %swap3A_425, %swap3A_426] {strides = array<i32>} : memref<4x8x1024xf32, #tpu.memory_space<vmem>>, vector<1x1x16xf32>,
        %swap3A_428 = vector.shape_cast %swap3A_427 : vector<1x1x16xf32> to vector<16xf32>
        %swap3A_429 = vector.shape_cast %get3A_423 : vector<16xf32> to vector<1x1x16xf32>
        tpu.vector_store %arg8[%swap3A_424, %swap3A_425, %swap3A_426], %swap3A_429 {add = true, strides = array<i32>} : memref<4x8x1024xf32, #tpu.memory_space<vmem>>, vector<1x1x16xf32>,
        %get3A_430 = arith.index_cast %scan3A_120 : i32 to index
        %get3A_431 = arith.constant 496 : index
        %get3A_432 = tpu.vector_load %arg6[%get3A_430, %get3A_431] {strides = array<i32>} : memref<8x1024xf32, #tpu.memory_space<vmem>>, vector<1x16xf32>,
        %get3A_433 = vector.shape_cast %get3A_432 : vector<1x16xf32> to vector<16xf32>
        %swap3A_434 = arith.index_cast %scan3A_110 : i32 to index
        %swap3A_435 = arith.index_cast %scan3A_120 : i32 to index
        %swap3A_436 = arith.constant 496 : index
        %swap3A_437 = tpu.vector_load %arg8[%swap3A_434, %swap3A_435, %swap3A_436] {strides = array<i32>} : memref<4x8x1024xf32, #tpu.memory_space<vmem>>, vector<1x1x16xf32>,
        %swap3A_438 = vector.shape_cast %swap3A_437 : vector<1x1x16xf32> to vector<16xf32>
        %swap3A_439 = vector.shape_cast %get3A_433 : vector<16xf32> to vector<1x1x16xf32>
        tpu.vector_store %arg8[%swap3A_434, %swap3A_435, %swap3A_436], %swap3A_439 {add = true, strides = array<i32>} : memref<4x8x1024xf32, #tpu.memory_space<vmem>>, vector<1x1x16xf32>,
        %get3A_440 = arith.index_cast %scan3A_120 : i32 to index
        %get3A_441 = arith.constant 512 : index
        %get3A_442 = tpu.vector_load %arg6[%get3A_440, %get3A_441] {strides = array<i32>} : memref<8x1024xf32, #tpu.memory_space<vmem>>, vector<1x16xf32>,
        %get3A_443 = vector.shape_cast %get3A_442 : vector<1x16xf32> to vector<16xf32>
        %swap3A_444 = arith.index_cast %scan3A_110 : i32 to index
        %swap3A_445 = arith.index_cast %scan3A_120 : i32 to index
        %swap3A_446 = arith.constant 512 : index
        %swap3A_447 = tpu.vector_load %arg8[%swap3A_444, %swap3A_445, %swap3A_446] {strides = array<i32>} : memref<4x8x1024xf32, #tpu.memory_space<vmem>>, vector<1x1x16xf32>,
        %swap3A_448 = vector.shape_cast %swap3A_447 : vector<1x1x16xf32> to vector<16xf32>
        %swap3A_449 = vector.shape_cast %get3A_443 : vector<16xf32> to vector<1x1x16xf32>
        tpu.vector_store %arg8[%swap3A_444, %swap3A_445, %swap3A_446], %swap3A_449 {add = true, strides = array<i32>} : memref<4x8x1024xf32, #tpu.memory_space<vmem>>, vector<1x1x16xf32>,
        %get3A_450 = arith.index_cast %scan3A_120 : i32 to index
        %get3A_451 = arith.constant 528 : index
        %get3A_452 = tpu.vector_load %arg6[%get3A_450, %get3A_451] {strides = array<i32>} : memref<8x1024xf32, #tpu.memory_space<vmem>>, vector<1x16xf32>,
        %get3A_453 = vector.shape_cast %get3A_452 : vector<1x16xf32> to vector<16xf32>
        %swap3A_454 = arith.index_cast %scan3A_110 : i32 to index
        %swap3A_455 = arith.index_cast %scan3A_120 : i32 to index
        %swap3A_456 = arith.constant 528 : index
        %swap3A_457 = tpu.vector_load %arg8[%swap3A_454, %swap3A_455, %swap3A_456] {strides = array<i32>} : memref<4x8x1024xf32, #tpu.memory_space<vmem>>, vector<1x1x16xf32>,
        %swap3A_458 = vector.shape_cast %swap3A_457 : vector<1x1x16xf32> to vector<16xf32>
        %swap3A_459 = vector.shape_cast %get3A_453 : vector<16xf32> to vector<1x1x16xf32>
        tpu.vector_store %arg8[%swap3A_454, %swap3A_455, %swap3A_456], %swap3A_459 {add = true, strides = array<i32>} : memref<4x8x1024xf32, #tpu.memory_space<vmem>>, vector<1x1x16xf32>,
        %get3A_460 = arith.index_cast %scan3A_120 : i32 to index
        %get3A_461 = arith.constant 544 : index
        %get3A_462 = tpu.vector_load %arg6[%get3A_460, %get3A_461] {strides = array<i32>} : memref<8x1024xf32, #tpu.memory_space<vmem>>, vector<1x16xf32>,
        %get3A_463 = vector.shape_cast %get3A_462 : vector<1x16xf32> to vector<16xf32>
        %swap3A_464 = arith.index_cast %scan3A_110 : i32 to index
        %swap3A_465 = arith.index_cast %scan3A_120 : i32 to index
        %swap3A_466 = arith.constant 544 : index
        %swap3A_467 = tpu.vector_load %arg8[%swap3A_464, %swap3A_465, %swap3A_466] {strides = array<i32>} : memref<4x8x1024xf32, #tpu.memory_space<vmem>>, vector<1x1x16xf32>,
        %swap3A_468 = vector.shape_cast %swap3A_467 : vector<1x1x16xf32> to vector<16xf32>
        %swap3A_469 = vector.shape_cast %get3A_463 : vector<16xf32> to vector<1x1x16xf32>
        tpu.vector_store %arg8[%swap3A_464, %swap3A_465, %swap3A_466], %swap3A_469 {add = true, strides = array<i32>} : memref<4x8x1024xf32, #tpu.memory_space<vmem>>, vector<1x1x16xf32>,
        %get3A_470 = arith.index_cast %scan3A_120 : i32 to index
        %get3A_471 = arith.constant 560 : index
        %get3A_472 = tpu.vector_load %arg6[%get3A_470, %get3A_471] {strides = array<i32>} : memref<8x1024xf32, #tpu.memory_space<vmem>>, vector<1x16xf32>,
        %get3A_473 = vector.shape_cast %get3A_472 : vector<1x16xf32> to vector<16xf32>
        %swap3A_474 = arith.index_cast %scan3A_110 : i32 to index
        %swap3A_475 = arith.index_cast %scan3A_120 : i32 to index
        %swap3A_476 = arith.constant 560 : index
        %swap3A_477 = tpu.vector_load %arg8[%swap3A_474, %swap3A_475, %swap3A_476] {strides = array<i32>} : memref<4x8x1024xf32, #tpu.memory_space<vmem>>, vector<1x1x16xf32>,
        %swap3A_478 = vector.shape_cast %swap3A_477 : vector<1x1x16xf32> to vector<16xf32>
        %swap3A_479 = vector.shape_cast %get3A_473 : vector<16xf32> to vector<1x1x16xf32>
        tpu.vector_store %arg8[%swap3A_474, %swap3A_475, %swap3A_476], %swap3A_479 {add = true, strides = array<i32>} : memref<4x8x1024xf32, #tpu.memory_space<vmem>>, vector<1x1x16xf32>,
        %get3A_480 = arith.index_cast %scan3A_120 : i32 to index
        %get3A_481 = arith.constant 576 : index
        %get3A_482 = tpu.vector_load %arg6[%get3A_480, %get3A_481] {strides = array<i32>} : memref<8x1024xf32, #tpu.memory_space<vmem>>, vector<1x16xf32>,
        %get3A_483 = vector.shape_cast %get3A_482 : vector<1x16xf32> to vector<16xf32>
        %swap3A_484 = arith.index_cast %scan3A_110 : i32 to index
        %swap3A_485 = arith.index_cast %scan3A_120 : i32 to index
        %swap3A_486 = arith.constant 576 : index
        %swap3A_487 = tpu.vector_load %arg8[%swap3A_484, %swap3A_485, %swap3A_486] {strides = array<i32>} : memref<4x8x1024xf32, #tpu.memory_space<vmem>>, vector<1x1x16xf32>,
        %swap3A_488 = vector.shape_cast %swap3A_487 : vector<1x1x16xf32> to vector<16xf32>
        %swap3A_489 = vector.shape_cast %get3A_483 : vector<16xf32> to vector<1x1x16xf32>
        tpu.vector_store %arg8[%swap3A_484, %swap3A_485, %swap3A_486], %swap3A_489 {add = true, strides = array<i32>} : memref<4x8x1024xf32, #tpu.memory_space<vmem>>, vector<1x1x16xf32>,
        %get3A_490 = arith.index_cast %scan3A_120 : i32 to index
        %get3A_491 = arith.constant 592 : index
        %get3A_492 = tpu.vector_load %arg6[%get3A_490, %get3A_491] {strides = array<i32>} : memref<8x1024xf32, #tpu.memory_space<vmem>>, vector<1x16xf32>,
        %get3A_493 = vector.shape_cast %get3A_492 : vector<1x16xf32> to vector<16xf32>
        %swap3A_494 = arith.index_cast %scan3A_110 : i32 to index
        %swap3A_495 = arith.index_cast %scan3A_120 : i32 to index
        %swap3A_496 = arith.constant 592 : index
        %swap3A_497 = tpu.vector_load %arg8[%swap3A_494, %swap3A_495, %swap3A_496] {strides = array<i32>} : memref<4x8x1024xf32, #tpu.memory_space<vmem>>, vector<1x1x16xf32>,
        %swap3A_498 = vector.shape_cast %swap3A_497 : vector<1x1x16xf32> to vector<16xf32>
        %swap3A_499 = vector.shape_cast %get3A_493 : vector<16xf32> to vector<1x1x16xf32>
        tpu.vector_store %arg8[%swap3A_494, %swap3A_495, %swap3A_496], %swap3A_499 {add = true, strides = array<i32>} : memref<4x8x1024xf32, #tpu.memory_space<vmem>>, vector<1x1x16xf32>,
        %get3A_500 = arith.index_cast %scan3A_120 : i32 to index
        %get3A_501 = arith.constant 608 : index
        %get3A_502 = tpu.vector_load %arg6[%get3A_500, %get3A_501] {strides = array<i32>} : memref<8x1024xf32, #tpu.memory_space<vmem>>, vector<1x16xf32>,
        %get3A_503 = vector.shape_cast %get3A_502 : vector<1x16xf32> to vector<16xf32>
        %swap3A_504 = arith.index_cast %scan3A_110 : i32 to index
        %swap3A_505 = arith.index_cast %scan3A_120 : i32 to index
        %swap3A_506 = arith.constant 608 : index
        %swap3A_507 = tpu.vector_load %arg8[%swap3A_504, %swap3A_505, %swap3A_506] {strides = array<i32>} : memref<4x8x1024xf32, #tpu.memory_space<vmem>>, vector<1x1x16xf32>,
        %swap3A_508 = vector.shape_cast %swap3A_507 : vector<1x1x16xf32> to vector<16xf32>
        %swap3A_509 = vector.shape_cast %get3A_503 : vector<16xf32> to vector<1x1x16xf32>
        tpu.vector_store %arg8[%swap3A_504, %swap3A_505, %swap3A_506], %swap3A_509 {add = true, strides = array<i32>} : memref<4x8x1024xf32, #tpu.memory_space<vmem>>, vector<1x1x16xf32>,
        %get3A_510 = arith.index_cast %scan3A_120 : i32 to index
        %get3A_511 = arith.constant 624 : index
        %get3A_512 = tpu.vector_load %arg6[%get3A_510, %get3A_511] {strides = array<i32>} : memref<8x1024xf32, #tpu.memory_space<vmem>>, vector<1x16xf32>,
        %get3A_513 = vector.shape_cast %get3A_512 : vector<1x16xf32> to vector<16xf32>
        %swap3A_514 = arith.index_cast %scan3A_110 : i32 to index
        %swap3A_515 = arith.index_cast %scan3A_120 : i32 to index
        %swap3A_516 = arith.constant 624 : index
        %swap3A_517 = tpu.vector_load %arg8[%swap3A_514, %swap3A_515, %swap3A_516] {strides = array<i32>} : memref<4x8x1024xf32, #tpu.memory_space<vmem>>, vector<1x1x16xf32>,
        %swap3A_518 = vector.shape_cast %swap3A_517 : vector<1x1x16xf32> to vector<16xf32>
        %swap3A_519 = vector.shape_cast %get3A_513 : vector<16xf32> to vector<1x1x16xf32>
        tpu.vector_store %arg8[%swap3A_514, %swap3A_515, %swap3A_516], %swap3A_519 {add = true, strides = array<i32>} : memref<4x8x1024xf32, #tpu.memory_space<vmem>>, vector<1x1x16xf32>,
        %get3A_520 = arith.index_cast %scan3A_120 : i32 to index
        %get3A_521 = arith.constant 640 : index
        %get3A_522 = tpu.vector_load %arg6[%get3A_520, %get3A_521] {strides = array<i32>} : memref<8x1024xf32, #tpu.memory_space<vmem>>, vector<1x16xf32>,
        %get3A_523 = vector.shape_cast %get3A_522 : vector<1x16xf32> to vector<16xf32>
        %swap3A_524 = arith.index_cast %scan3A_110 : i32 to index
        %swap3A_525 = arith.index_cast %scan3A_120 : i32 to index
        %swap3A_526 = arith.constant 640 : index
        %swap3A_527 = tpu.vector_load %arg8[%swap3A_524, %swap3A_525, %swap3A_526] {strides = array<i32>} : memref<4x8x1024xf32, #tpu.memory_space<vmem>>, vector<1x1x16xf32>,
        %swap3A_528 = vector.shape_cast %swap3A_527 : vector<1x1x16xf32> to vector<16xf32>
        %swap3A_529 = vector.shape_cast %get3A_523 : vector<16xf32> to vector<1x1x16xf32>
        tpu.vector_store %arg8[%swap3A_524, %swap3A_525, %swap3A_526], %swap3A_529 {add = true, strides = array<i32>} : memref<4x8x1024xf32, #tpu.memory_space<vmem>>, vector<1x1x16xf32>,
        %get3A_530 = arith.index_cast %scan3A_120 : i32 to index
        %get3A_531 = arith.constant 656 : index
        %get3A_532 = tpu.vector_load %arg6[%get3A_530, %get3A_531] {strides = array<i32>} : memref<8x1024xf32, #tpu.memory_space<vmem>>, vector<1x16xf32>,
        %get3A_533 = vector.shape_cast %get3A_532 : vector<1x16xf32> to vector<16xf32>
        %swap3A_534 = arith.index_cast %scan3A_110 : i32 to index
        %swap3A_535 = arith.index_cast %scan3A_120 : i32 to index
        %swap3A_536 = arith.constant 656 : index
        %swap3A_537 = tpu.vector_load %arg8[%swap3A_534, %swap3A_535, %swap3A_536] {strides = array<i32>} : memref<4x8x1024xf32, #tpu.memory_space<vmem>>, vector<1x1x16xf32>,
        %swap3A_538 = vector.shape_cast %swap3A_537 : vector<1x1x16xf32> to vector<16xf32>
        %swap3A_539 = vector.shape_cast %get3A_533 : vector<16xf32> to vector<1x1x16xf32>
        tpu.vector_store %arg8[%swap3A_534, %swap3A_535, %swap3A_536], %swap3A_539 {add = true, strides = array<i32>} : memref<4x8x1024xf32, #tpu.memory_space<vmem>>, vector<1x1x16xf32>,
        %get3A_540 = arith.index_cast %scan3A_120 : i32 to index
        %get3A_541 = arith.constant 672 : index
        %get3A_542 = tpu.vector_load %arg6[%get3A_540, %get3A_541] {strides = array<i32>} : memref<8x1024xf32, #tpu.memory_space<vmem>>, vector<1x16xf32>,
        %get3A_543 = vector.shape_cast %get3A_542 : vector<1x16xf32> to vector<16xf32>
        %swap3A_544 = arith.index_cast %scan3A_110 : i32 to index
        %swap3A_545 = arith.index_cast %scan3A_120 : i32 to index
        %swap3A_546 = arith.constant 672 : index
        %swap3A_547 = tpu.vector_load %arg8[%swap3A_544, %swap3A_545, %swap3A_546] {strides = array<i32>} : memref<4x8x1024xf32, #tpu.memory_space<vmem>>, vector<1x1x16xf32>,
        %swap3A_548 = vector.shape_cast %swap3A_547 : vector<1x1x16xf32> to vector<16xf32>
        %swap3A_549 = vector.shape_cast %get3A_543 : vector<16xf32> to vector<1x1x16xf32>
        tpu.vector_store %arg8[%swap3A_544, %swap3A_545, %swap3A_546], %swap3A_549 {add = true, strides = array<i32>} : memref<4x8x1024xf32, #tpu.memory_space<vmem>>, vector<1x1x16xf32>,
        %get3A_550 = arith.index_cast %scan3A_120 : i32 to index
        %get3A_551 = arith.constant 688 : index
        %get3A_552 = tpu.vector_load %arg6[%get3A_550, %get3A_551] {strides = array<i32>} : memref<8x1024xf32, #tpu.memory_space<vmem>>, vector<1x16xf32>,
        %get3A_553 = vector.shape_cast %get3A_552 : vector<1x16xf32> to vector<16xf32>
        %swap3A_554 = arith.index_cast %scan3A_110 : i32 to index
        %swap3A_555 = arith.index_cast %scan3A_120 : i32 to index
        %swap3A_556 = arith.constant 688 : index
        %swap3A_557 = tpu.vector_load %arg8[%swap3A_554, %swap3A_555, %swap3A_556] {strides = array<i32>} : memref<4x8x1024xf32, #tpu.memory_space<vmem>>, vector<1x1x16xf32>,
        %swap3A_558 = vector.shape_cast %swap3A_557 : vector<1x1x16xf32> to vector<16xf32>
        %swap3A_559 = vector.shape_cast %get3A_553 : vector<16xf32> to vector<1x1x16xf32>
        tpu.vector_store %arg8[%swap3A_554, %swap3A_555, %swap3A_556], %swap3A_559 {add = true, strides = array<i32>} : memref<4x8x1024xf32, #tpu.memory_space<vmem>>, vector<1x1x16xf32>,
        %get3A_560 = arith.index_cast %scan3A_120 : i32 to index
        %get3A_561 = arith.constant 704 : index
        %get3A_562 = tpu.vector_load %arg6[%get3A_560, %get3A_561] {strides = array<i32>} : memref<8x1024xf32, #tpu.memory_space<vmem>>, vector<1x16xf32>,
        %get3A_563 = vector.shape_cast %get3A_562 : vector<1x16xf32> to vector<16xf32>
        %swap3A_564 = arith.index_cast %scan3A_110 : i32 to index
        %swap3A_565 = arith.index_cast %scan3A_120 : i32 to index
        %swap3A_566 = arith.constant 704 : index
        %swap3A_567 = tpu.vector_load %arg8[%swap3A_564, %swap3A_565, %swap3A_566] {strides = array<i32>} : memref<4x8x1024xf32, #tpu.memory_space<vmem>>, vector<1x1x16xf32>,
        %swap3A_568 = vector.shape_cast %swap3A_567 : vector<1x1x16xf32> to vector<16xf32>
        %swap3A_569 = vector.shape_cast %get3A_563 : vector<16xf32> to vector<1x1x16xf32>
        tpu.vector_store %arg8[%swap3A_564, %swap3A_565, %swap3A_566], %swap3A_569 {add = true, strides = array<i32>} : memref<4x8x1024xf32, #tpu.memory_space<vmem>>, vector<1x1x16xf32>,
        %get3A_570 = arith.index_cast %scan3A_120 : i32 to index
        %get3A_571 = arith.constant 720 : index
        %get3A_572 = tpu.vector_load %arg6[%get3A_570, %get3A_571] {strides = array<i32>} : memref<8x1024xf32, #tpu.memory_space<vmem>>, vector<1x16xf32>,
        %get3A_573 = vector.shape_cast %get3A_572 : vector<1x16xf32> to vector<16xf32>
        %swap3A_574 = arith.index_cast %scan3A_110 : i32 to index
        %swap3A_575 = arith.index_cast %scan3A_120 : i32 to index
        %swap3A_576 = arith.constant 720 : index
        %swap3A_577 = tpu.vector_load %arg8[%swap3A_574, %swap3A_575, %swap3A_576] {strides = array<i32>} : memref<4x8x1024xf32, #tpu.memory_space<vmem>>, vector<1x1x16xf32>,
        %swap3A_578 = vector.shape_cast %swap3A_577 : vector<1x1x16xf32> to vector<16xf32>
        %swap3A_579 = vector.shape_cast %get3A_573 : vector<16xf32> to vector<1x1x16xf32>
        tpu.vector_store %arg8[%swap3A_574, %swap3A_575, %swap3A_576], %swap3A_579 {add = true, strides = array<i32>} : memref<4x8x1024xf32, #tpu.memory_space<vmem>>, vector<1x1x16xf32>,
        %get3A_580 = arith.index_cast %scan3A_120 : i32 to index
        %get3A_581 = arith.constant 736 : index
        %get3A_582 = tpu.vector_load %arg6[%get3A_580, %get3A_581] {strides = array<i32>} : memref<8x1024xf32, #tpu.memory_space<vmem>>, vector<1x16xf32>,
        %get3A_583 = vector.shape_cast %get3A_582 : vector<1x16xf32> to vector<16xf32>
        %swap3A_584 = arith.index_cast %scan3A_110 : i32 to index
        %swap3A_585 = arith.index_cast %scan3A_120 : i32 to index
        %swap3A_586 = arith.constant 736 : index
        %swap3A_587 = tpu.vector_load %arg8[%swap3A_584, %swap3A_585, %swap3A_586] {strides = array<i32>} : memref<4x8x1024xf32, #tpu.memory_space<vmem>>, vector<1x1x16xf32>,
        %swap3A_588 = vector.shape_cast %swap3A_587 : vector<1x1x16xf32> to vector<16xf32>
        %swap3A_589 = vector.shape_cast %get3A_583 : vector<16xf32> to vector<1x1x16xf32>
        tpu.vector_store %arg8[%swap3A_584, %swap3A_585, %swap3A_586], %swap3A_589 {add = true, strides = array<i32>} : memref<4x8x1024xf32, #tpu.memory_space<vmem>>, vector<1x1x16xf32>,
        %get3A_590 = arith.index_cast %scan3A_120 : i32 to index
        %get3A_591 = arith.constant 752 : index
        %get3A_592 = tpu.vector_load %arg6[%get3A_590, %get3A_591] {strides = array<i32>} : memref<8x1024xf32, #tpu.memory_space<vmem>>, vector<1x16xf32>,
        %get3A_593 = vector.shape_cast %get3A_592 : vector<1x16xf32> to vector<16xf32>
        %swap3A_594 = arith.index_cast %scan3A_110 : i32 to index
        %swap3A_595 = arith.index_cast %scan3A_120 : i32 to index
        %swap3A_596 = arith.constant 752 : index
        %swap3A_597 = tpu.vector_load %arg8[%swap3A_594, %swap3A_595, %swap3A_596] {strides = array<i32>} : memref<4x8x1024xf32, #tpu.memory_space<vmem>>, vector<1x1x16xf32>,
        %swap3A_598 = vector.shape_cast %swap3A_597 : vector<1x1x16xf32> to vector<16xf32>
        %swap3A_599 = vector.shape_cast %get3A_593 : vector<16xf32> to vector<1x1x16xf32>
        tpu.vector_store %arg8[%swap3A_594, %swap3A_595, %swap3A_596], %swap3A_599 {add = true, strides = array<i32>} : memref<4x8x1024xf32, #tpu.memory_space<vmem>>, vector<1x1x16xf32>,
        %get3A_600 = arith.index_cast %scan3A_120 : i32 to index
        %get3A_601 = arith.constant 768 : index
        %get3A_602 = tpu.vector_load %arg6[%get3A_600, %get3A_601] {strides = array<i32>} : memref<8x1024xf32, #tpu.memory_space<vmem>>, vector<1x16xf32>,
        %get3A_603 = vector.shape_cast %get3A_602 : vector<1x16xf32> to vector<16xf32>
        %swap3A_604 = arith.index_cast %scan3A_110 : i32 to index
        %swap3A_605 = arith.index_cast %scan3A_120 : i32 to index
        %swap3A_606 = arith.constant 768 : index
        %swap3A_607 = tpu.vector_load %arg8[%swap3A_604, %swap3A_605, %swap3A_606] {strides = array<i32>} : memref<4x8x1024xf32, #tpu.memory_space<vmem>>, vector<1x1x16xf32>,
        %swap3A_608 = vector.shape_cast %swap3A_607 : vector<1x1x16xf32> to vector<16xf32>
        %swap3A_609 = vector.shape_cast %get3A_603 : vector<16xf32> to vector<1x1x16xf32>
        tpu.vector_store %arg8[%swap3A_604, %swap3A_605, %swap3A_606], %swap3A_609 {add = true, strides = array<i32>} : memref<4x8x1024xf32, #tpu.memory_space<vmem>>, vector<1x1x16xf32>,
        %get3A_610 = arith.index_cast %scan3A_120 : i32 to index
        %get3A_611 = arith.constant 784 : index
        %get3A_612 = tpu.vector_load %arg6[%get3A_610, %get3A_611] {strides = array<i32>} : memref<8x1024xf32, #tpu.memory_space<vmem>>, vector<1x16xf32>,
        %get3A_613 = vector.shape_cast %get3A_612 : vector<1x16xf32> to vector<16xf32>
        %swap3A_614 = arith.index_cast %scan3A_110 : i32 to index
        %swap3A_615 = arith.index_cast %scan3A_120 : i32 to index
        %swap3A_616 = arith.constant 784 : index
        %swap3A_617 = tpu.vector_load %arg8[%swap3A_614, %swap3A_615, %swap3A_616] {strides = array<i32>} : memref<4x8x1024xf32, #tpu.memory_space<vmem>>, vector<1x1x16xf32>,
        %swap3A_618 = vector.shape_cast %swap3A_617 : vector<1x1x16xf32> to vector<16xf32>
        %swap3A_619 = vector.shape_cast %get3A_613 : vector<16xf32> to vector<1x1x16xf32>
        tpu.vector_store %arg8[%swap3A_614, %swap3A_615, %swap3A_616], %swap3A_619 {add = true, strides = array<i32>} : memref<4x8x1024xf32, #tpu.memory_space<vmem>>, vector<1x1x16xf32>,
        %get3A_620 = arith.index_cast %scan3A_120 : i32 to index
        %get3A_621 = arith.constant 800 : index
        %get3A_622 = tpu.vector_load %arg6[%get3A_620, %get3A_621] {strides = array<i32>} : memref<8x1024xf32, #tpu.memory_space<vmem>>, vector<1x16xf32>,
        %get3A_623 = vector.shape_cast %get3A_622 : vector<1x16xf32> to vector<16xf32>
        %swap3A_624 = arith.index_cast %scan3A_110 : i32 to index
        %swap3A_625 = arith.index_cast %scan3A_120 : i32 to index
        %swap3A_626 = arith.constant 800 : index
        %swap3A_627 = tpu.vector_load %arg8[%swap3A_624, %swap3A_625, %swap3A_626] {strides = array<i32>} : memref<4x8x1024xf32, #tpu.memory_space<vmem>>, vector<1x1x16xf32>,
        %swap3A_628 = vector.shape_cast %swap3A_627 : vector<1x1x16xf32> to vector<16xf32>
        %swap3A_629 = vector.shape_cast %get3A_623 : vector<16xf32> to vector<1x1x16xf32>
        tpu.vector_store %arg8[%swap3A_624, %swap3A_625, %swap3A_626], %swap3A_629 {add = true, strides = array<i32>} : memref<4x8x1024xf32, #tpu.memory_space<vmem>>, vector<1x1x16xf32>,
        %get3A_630 = arith.index_cast %scan3A_120 : i32 to index
        %get3A_631 = arith.constant 816 : index
        %get3A_632 = tpu.vector_load %arg6[%get3A_630, %get3A_631] {strides = array<i32>} : memref<8x1024xf32, #tpu.memory_space<vmem>>, vector<1x16xf32>,
        %get3A_633 = vector.shape_cast %get3A_632 : vector<1x16xf32> to vector<16xf32>
        %swap3A_634 = arith.index_cast %scan3A_110 : i32 to index
        %swap3A_635 = arith.index_cast %scan3A_120 : i32 to index
        %swap3A_636 = arith.constant 816 : index
        %swap3A_637 = tpu.vector_load %arg8[%swap3A_634, %swap3A_635, %swap3A_636] {strides = array<i32>} : memref<4x8x1024xf32, #tpu.memory_space<vmem>>, vector<1x1x16xf32>,
        %swap3A_638 = vector.shape_cast %swap3A_637 : vector<1x1x16xf32> to vector<16xf32>
        %swap3A_639 = vector.shape_cast %get3A_633 : vector<16xf32> to vector<1x1x16xf32>
        tpu.vector_store %arg8[%swap3A_634, %swap3A_635, %swap3A_636], %swap3A_639 {add = true, strides = array<i32>} : memref<4x8x1024xf32, #tpu.memory_space<vmem>>, vector<1x1x16xf32>,
        %get3A_640 = arith.index_cast %scan3A_120 : i32 to index
        %get3A_641 = arith.constant 832 : index
        %get3A_642 = tpu.vector_load %arg6[%get3A_640, %get3A_641] {strides = array<i32>} : memref<8x1024xf32, #tpu.memory_space<vmem>>, vector<1x16xf32>,
        %get3A_643 = vector.shape_cast %get3A_642 : vector<1x16xf32> to vector<16xf32>
        %swap3A_644 = arith.index_cast %scan3A_110 : i32 to index
        %swap3A_645 = arith.index_cast %scan3A_120 : i32 to index
        %swap3A_646 = arith.constant 832 : index
        %swap3A_647 = tpu.vector_load %arg8[%swap3A_644, %swap3A_645, %swap3A_646] {strides = array<i32>} : memref<4x8x1024xf32, #tpu.memory_space<vmem>>, vector<1x1x16xf32>,
        %swap3A_648 = vector.shape_cast %swap3A_647 : vector<1x1x16xf32> to vector<16xf32>
        %swap3A_649 = vector.shape_cast %get3A_643 : vector<16xf32> to vector<1x1x16xf32>
        tpu.vector_store %arg8[%swap3A_644, %swap3A_645, %swap3A_646], %swap3A_649 {add = true, strides = array<i32>} : memref<4x8x1024xf32, #tpu.memory_space<vmem>>, vector<1x1x16xf32>,
        %get3A_650 = arith.index_cast %scan3A_120 : i32 to index
        %get3A_651 = arith.constant 848 : index
        %get3A_652 = tpu.vector_load %arg6[%get3A_650, %get3A_651] {strides = array<i32>} : memref<8x1024xf32, #tpu.memory_space<vmem>>, vector<1x16xf32>,
        %get3A_653 = vector.shape_cast %get3A_652 : vector<1x16xf32> to vector<16xf32>
        %swap3A_654 = arith.index_cast %scan3A_110 : i32 to index
        %swap3A_655 = arith.index_cast %scan3A_120 : i32 to index
        %swap3A_656 = arith.constant 848 : index
        %swap3A_657 = tpu.vector_load %arg8[%swap3A_654, %swap3A_655, %swap3A_656] {strides = array<i32>} : memref<4x8x1024xf32, #tpu.memory_space<vmem>>, vector<1x1x16xf32>,
        %swap3A_658 = vector.shape_cast %swap3A_657 : vector<1x1x16xf32> to vector<16xf32>
        %swap3A_659 = vector.shape_cast %get3A_653 : vector<16xf32> to vector<1x1x16xf32>
        tpu.vector_store %arg8[%swap3A_654, %swap3A_655, %swap3A_656], %swap3A_659 {add = true, strides = array<i32>} : memref<4x8x1024xf32, #tpu.memory_space<vmem>>, vector<1x1x16xf32>,
        %get3A_660 = arith.index_cast %scan3A_120 : i32 to index
        %get3A_661 = arith.constant 864 : index
        %get3A_662 = tpu.vector_load %arg6[%get3A_660, %get3A_661] {strides = array<i32>} : memref<8x1024xf32, #tpu.memory_space<vmem>>, vector<1x16xf32>,
        %get3A_663 = vector.shape_cast %get3A_662 : vector<1x16xf32> to vector<16xf32>
        %swap3A_664 = arith.index_cast %scan3A_110 : i32 to index
        %swap3A_665 = arith.index_cast %scan3A_120 : i32 to index
        %swap3A_666 = arith.constant 864 : index
        %swap3A_667 = tpu.vector_load %arg8[%swap3A_664, %swap3A_665, %swap3A_666] {strides = array<i32>} : memref<4x8x1024xf32, #tpu.memory_space<vmem>>, vector<1x1x16xf32>,
        %swap3A_668 = vector.shape_cast %swap3A_667 : vector<1x1x16xf32> to vector<16xf32>
        %swap3A_669 = vector.shape_cast %get3A_663 : vector<16xf32> to vector<1x1x16xf32>
        tpu.vector_store %arg8[%swap3A_664, %swap3A_665, %swap3A_666], %swap3A_669 {add = true, strides = array<i32>} : memref<4x8x1024xf32, #tpu.memory_space<vmem>>, vector<1x1x16xf32>,
        %get3A_670 = arith.index_cast %scan3A_120 : i32 to index
        %get3A_671 = arith.constant 880 : index
        %get3A_672 = tpu.vector_load %arg6[%get3A_670, %get3A_671] {strides = array<i32>} : memref<8x1024xf32, #tpu.memory_space<vmem>>, vector<1x16xf32>,
        %get3A_673 = vector.shape_cast %get3A_672 : vector<1x16xf32> to vector<16xf32>
        %swap3A_674 = arith.index_cast %scan3A_110 : i32 to index
        %swap3A_675 = arith.index_cast %scan3A_120 : i32 to index
        %swap3A_676 = arith.constant 880 : index
        %swap3A_677 = tpu.vector_load %arg8[%swap3A_674, %swap3A_675, %swap3A_676] {strides = array<i32>} : memref<4x8x1024xf32, #tpu.memory_space<vmem>>, vector<1x1x16xf32>,
        %swap3A_678 = vector.shape_cast %swap3A_677 : vector<1x1x16xf32> to vector<16xf32>
        %swap3A_679 = vector.shape_cast %get3A_673 : vector<16xf32> to vector<1x1x16xf32>
        tpu.vector_store %arg8[%swap3A_674, %swap3A_675, %swap3A_676], %swap3A_679 {add = true, strides = array<i32>} : memref<4x8x1024xf32, #tpu.memory_space<vmem>>, vector<1x1x16xf32>,
        %get3A_680 = arith.index_cast %scan3A_120 : i32 to index
        %get3A_681 = arith.constant 896 : index
        %get3A_682 = tpu.vector_load %arg6[%get3A_680, %get3A_681] {strides = array<i32>} : memref<8x1024xf32, #tpu.memory_space<vmem>>, vector<1x16xf32>,
        %get3A_683 = vector.shape_cast %get3A_682 : vector<1x16xf32> to vector<16xf32>
        %swap3A_684 = arith.index_cast %scan3A_110 : i32 to index
        %swap3A_685 = arith.index_cast %scan3A_120 : i32 to index
        %swap3A_686 = arith.constant 896 : index
        %swap3A_687 = tpu.vector_load %arg8[%swap3A_684, %swap3A_685, %swap3A_686] {strides = array<i32>} : memref<4x8x1024xf32, #tpu.memory_space<vmem>>, vector<1x1x16xf32>,
        %swap3A_688 = vector.shape_cast %swap3A_687 : vector<1x1x16xf32> to vector<16xf32>
        %swap3A_689 = vector.shape_cast %get3A_683 : vector<16xf32> to vector<1x1x16xf32>
        tpu.vector_store %arg8[%swap3A_684, %swap3A_685, %swap3A_686], %swap3A_689 {add = true, strides = array<i32>} : memref<4x8x1024xf32, #tpu.memory_space<vmem>>, vector<1x1x16xf32>,
        %get3A_690 = arith.index_cast %scan3A_120 : i32 to index
        %get3A_691 = arith.constant 912 : index
        %get3A_692 = tpu.vector_load %arg6[%get3A_690, %get3A_691] {strides = array<i32>} : memref<8x1024xf32, #tpu.memory_space<vmem>>, vector<1x16xf32>,
        %get3A_693 = vector.shape_cast %get3A_692 : vector<1x16xf32> to vector<16xf32>
        %swap3A_694 = arith.index_cast %scan3A_110 : i32 to index
        %swap3A_695 = arith.index_cast %scan3A_120 : i32 to index
        %swap3A_696 = arith.constant 912 : index
        %swap3A_697 = tpu.vector_load %arg8[%swap3A_694, %swap3A_695, %swap3A_696] {strides = array<i32>} : memref<4x8x1024xf32, #tpu.memory_space<vmem>>, vector<1x1x16xf32>,
        %swap3A_698 = vector.shape_cast %swap3A_697 : vector<1x1x16xf32> to vector<16xf32>
        %swap3A_699 = vector.shape_cast %get3A_693 : vector<16xf32> to vector<1x1x16xf32>
        tpu.vector_store %arg8[%swap3A_694, %swap3A_695, %swap3A_696], %swap3A_699 {add = true, strides = array<i32>} : memref<4x8x1024xf32, #tpu.memory_space<vmem>>, vector<1x1x16xf32>,
        %get3A_700 = arith.index_cast %scan3A_120 : i32 to index
        %get3A_701 = arith.constant 928 : index
        %get3A_702 = tpu.vector_load %arg6[%get3A_700, %get3A_701] {strides = array<i32>} : memref<8x1024xf32, #tpu.memory_space<vmem>>, vector<1x16xf32>,
        %get3A_703 = vector.shape_cast %get3A_702 : vector<1x16xf32> to vector<16xf32>
        %swap3A_704 = arith.index_cast %scan3A_110 : i32 to index
        %swap3A_705 = arith.index_cast %scan3A_120 : i32 to index
        %swap3A_706 = arith.constant 928 : index
        %swap3A_707 = tpu.vector_load %arg8[%swap3A_704, %swap3A_705, %swap3A_706] {strides = array<i32>} : memref<4x8x1024xf32, #tpu.memory_space<vmem>>, vector<1x1x16xf32>,
        %swap3A_708 = vector.shape_cast %swap3A_707 : vector<1x1x16xf32> to vector<16xf32>
        %swap3A_709 = vector.shape_cast %get3A_703 : vector<16xf32> to vector<1x1x16xf32>
        tpu.vector_store %arg8[%swap3A_704, %swap3A_705, %swap3A_706], %swap3A_709 {add = true, strides = array<i32>} : memref<4x8x1024xf32, #tpu.memory_space<vmem>>, vector<1x1x16xf32>,
        %get3A_710 = arith.index_cast %scan3A_120 : i32 to index
        %get3A_711 = arith.constant 944 : index
        %get3A_712 = tpu.vector_load %arg6[%get3A_710, %get3A_711] {strides = array<i32>} : memref<8x1024xf32, #tpu.memory_space<vmem>>, vector<1x16xf32>,
        %get3A_713 = vector.shape_cast %get3A_712 : vector<1x16xf32> to vector<16xf32>
        %swap3A_714 = arith.index_cast %scan3A_110 : i32 to index
        %swap3A_715 = arith.index_cast %scan3A_120 : i32 to index
        %swap3A_716 = arith.constant 944 : index
        %swap3A_717 = tpu.vector_load %arg8[%swap3A_714, %swap3A_715, %swap3A_716] {strides = array<i32>} : memref<4x8x1024xf32, #tpu.memory_space<vmem>>, vector<1x1x16xf32>,
        %swap3A_718 = vector.shape_cast %swap3A_717 : vector<1x1x16xf32> to vector<16xf32>
        %swap3A_719 = vector.shape_cast %get3A_713 : vector<16xf32> to vector<1x1x16xf32>
        tpu.vector_store %arg8[%swap3A_714, %swap3A_715, %swap3A_716], %swap3A_719 {add = true, strides = array<i32>} : memref<4x8x1024xf32, #tpu.memory_space<vmem>>, vector<1x1x16xf32>,
        %get3A_720 = arith.index_cast %scan3A_120 : i32 to index
        %get3A_721 = arith.constant 960 : index
        %get3A_722 = tpu.vector_load %arg6[%get3A_720, %get3A_721] {strides = array<i32>} : memref<8x1024xf32, #tpu.memory_space<vmem>>, vector<1x16xf32>,
        %get3A_723 = vector.shape_cast %get3A_722 : vector<1x16xf32> to vector<16xf32>
        %swap3A_724 = arith.index_cast %scan3A_110 : i32 to index
        %swap3A_725 = arith.index_cast %scan3A_120 : i32 to index
        %swap3A_726 = arith.constant 960 : index
        %swap3A_727 = tpu.vector_load %arg8[%swap3A_724, %swap3A_725, %swap3A_726] {strides = array<i32>} : memref<4x8x1024xf32, #tpu.memory_space<vmem>>, vector<1x1x16xf32>,
        %swap3A_728 = vector.shape_cast %swap3A_727 : vector<1x1x16xf32> to vector<16xf32>
        %swap3A_729 = vector.shape_cast %get3A_723 : vector<16xf32> to vector<1x1x16xf32>
        tpu.vector_store %arg8[%swap3A_724, %swap3A_725, %swap3A_726], %swap3A_729 {add = true, strides = array<i32>} : memref<4x8x1024xf32, #tpu.memory_space<vmem>>, vector<1x1x16xf32>,
        %get3A_730 = arith.index_cast %scan3A_120 : i32 to index
        %get3A_731 = arith.constant 976 : index
        %get3A_732 = tpu.vector_load %arg6[%get3A_730, %get3A_731] {strides = array<i32>} : memref<8x1024xf32, #tpu.memory_space<vmem>>, vector<1x16xf32>,
        %get3A_733 = vector.shape_cast %get3A_732 : vector<1x16xf32> to vector<16xf32>
        %swap3A_734 = arith.index_cast %scan3A_110 : i32 to index
        %swap3A_735 = arith.index_cast %scan3A_120 : i32 to index
        %swap3A_736 = arith.constant 976 : index
        %swap3A_737 = tpu.vector_load %arg8[%swap3A_734, %swap3A_735, %swap3A_736] {strides = array<i32>} : memref<4x8x1024xf32, #tpu.memory_space<vmem>>, vector<1x1x16xf32>,
        %swap3A_738 = vector.shape_cast %swap3A_737 : vector<1x1x16xf32> to vector<16xf32>
        %swap3A_739 = vector.shape_cast %get3A_733 : vector<16xf32> to vector<1x1x16xf32>
        tpu.vector_store %arg8[%swap3A_734, %swap3A_735, %swap3A_736], %swap3A_739 {add = true, strides = array<i32>} : memref<4x8x1024xf32, #tpu.memory_space<vmem>>, vector<1x1x16xf32>,
        %get3A_740 = arith.index_cast %scan3A_120 : i32 to index
        %get3A_741 = arith.constant 992 : index
        %get3A_742 = tpu.vector_load %arg6[%get3A_740, %get3A_741] {strides = array<i32>} : memref<8x1024xf32, #tpu.memory_space<vmem>>, vector<1x16xf32>,
        %get3A_743 = vector.shape_cast %get3A_742 : vector<1x16xf32> to vector<16xf32>
        %swap3A_744 = arith.index_cast %scan3A_110 : i32 to index
        %swap3A_745 = arith.index_cast %scan3A_120 : i32 to index
        %swap3A_746 = arith.constant 992 : index
        %swap3A_747 = tpu.vector_load %arg8[%swap3A_744, %swap3A_745, %swap3A_746] {strides = array<i32>} : memref<4x8x1024xf32, #tpu.memory_space<vmem>>, vector<1x1x16xf32>,
        %swap3A_748 = vector.shape_cast %swap3A_747 : vector<1x1x16xf32> to vector<16xf32>
        %swap3A_749 = vector.shape_cast %get3A_743 : vector<16xf32> to vector<1x1x16xf32>
        tpu.vector_store %arg8[%swap3A_744, %swap3A_745, %swap3A_746], %swap3A_749 {add = true, strides = array<i32>} : memref<4x8x1024xf32, #tpu.memory_space<vmem>>, vector<1x1x16xf32>,
        %get3A_750 = arith.index_cast %scan3A_120 : i32 to index
        %get3A_751 = arith.constant 1008 : index
        %get3A_752 = tpu.vector_load %arg6[%get3A_750, %get3A_751] {strides = array<i32>} : memref<8x1024xf32, #tpu.memory_space<vmem>>, vector<1x16xf32>,
        %get3A_753 = vector.shape_cast %get3A_752 : vector<1x16xf32> to vector<16xf32>
        %swap3A_754 = arith.index_cast %scan3A_110 : i32 to index
        %swap3A_755 = arith.index_cast %scan3A_120 : i32 to index
        %swap3A_756 = arith.constant 1008 : index
        %swap3A_757 = tpu.vector_load %arg8[%swap3A_754, %swap3A_755, %swap3A_756] {strides = array<i32>} : memref<4x8x1024xf32, #tpu.memory_space<vmem>>, vector<1x1x16xf32>,
        %swap3A_758 = vector.shape_cast %swap3A_757 : vector<1x1x16xf32> to vector<16xf32>
        %swap3A_759 = vector.shape_cast %get3A_753 : vector<16xf32> to vector<1x1x16xf32>
        tpu.vector_store %arg8[%swap3A_754, %swap3A_755, %swap3A_756], %swap3A_759 {add = true, strides = array<i32>} : memref<4x8x1024xf32, #tpu.memory_space<vmem>>, vector<1x1x16xf32>,
        %scan3A_760 = arith.constant 0 : i32
        scf.yield %scan3A_760 : i32
      }
      %scan3A_118 = arith.constant 8 : i32
      %scan3A_119 = arith.constant 0 : i32
      scf.yield %scan3A_119 : i32
    }
    %scan3A_87 = arith.constant 4 : i32
    %add3A_88 = arith.constant 8 : i32
    %add3A_89 = arith.addi %mul3A_2, %add3A_88 : i32
    %add3A_90 = arith.constant 3584 : i32
    %add3A_91 = arith.addi %add3A_90, %add3A_89 : i32
    %dma_start3A_92 = arith.constant 0 : i32
    %dma_start3A_93 = arith.constant 0 : i32
    %dma_start3A_94 = tpu.memref_slice %arg4[%dma_start3A_92, %add3A_91, %dma_start3A_93] : memref<4x4096x1024xf32, #tpu.memory_space<hbm>> -> memref<4x8x1024xf32, #tpu.memory_space<hbm>>
    %dma_start3A_95 = arith.constant 0 : i32
    %dma_start3A_96 = arith.constant 0 : i32
    %dma_start3A_97 = tpu.memref_slice %arg4[%dma_start3A_95, %add3A_91, %dma_start3A_96] : memref<4x4096x1024xf32, #tpu.memory_space<hbm>> -> memref<4x8x1024xf32, #tpu.memory_space<hbm>>
    tpu.enqueue_dma source(%arg8 : memref<4x8x1024xf32, #tpu.memory_space<vmem>>) target(%dma_start3A_97 : memref<4x8x1024xf32, #tpu.memory_space<hbm>>) target_semaphore(%arg16 : memref<!tpu.dma_semaphore, #tpu.memory_space<semaphore_mem>>)
    %dma_wait3A_98 = arith.constant 0 : i32
    %dma_wait3A_99 = arith.constant 0 : i32
    %dma_wait3A_100 = tpu.memref_slice %arg4[%dma_wait3A_98, %add3A_60, %dma_wait3A_99] : memref<4x4096x1024xf32, #tpu.memory_space<hbm>> -> memref<4x8x1024xf32, #tpu.memory_space<hbm>>
    %dma_wait3A_101 = arith.constant 0 : i32
    %dma_wait3A_102 = arith.constant 0 : i32
    %dma_wait3A_103 = tpu.memref_slice %arg4[%dma_wait3A_101, %add3A_60, %dma_wait3A_102] : memref<4x4096x1024xf32, #tpu.memory_space<hbm>> -> memref<4x8x1024xf32, #tpu.memory_space<hbm>>
    tpu.wait_dma2 semaphore(%arg15 : memref<!tpu.dma_semaphore, #tpu.memory_space<semaphore_mem>>) src(%arg7 : memref<4x8x1024xf32, #tpu.memory_space<vmem>>) dst(%dma_wait3A_103 : memref<4x8x1024xf32, #tpu.memory_space<hbm>>)
    %dma_wait3A_104 = arith.constant 0 : i32
    %dma_wait3A_105 = arith.constant 0 : i32
    %dma_wait3A_106 = tpu.memref_slice %arg4[%dma_wait3A_104, %add3A_91, %dma_wait3A_105] : memref<4x4096x1024xf32, #tpu.memory_space<hbm>> -> memref<4x8x1024xf32, #tpu.memory_space<hbm>>
    %dma_wait3A_107 = arith.constant 0 : i32
    %dma_wait3A_108 = arith.constant 0 : i32
    %dma_wait3A_109 = tpu.memref_slice %arg4[%dma_wait3A_107, %add3A_91, %dma_wait3A_108] : memref<4x4096x1024xf32, #tpu.memory_space<hbm>> -> memref<4x8x1024xf32, #tpu.memory_space<hbm>>
    tpu.wait_dma2 semaphore(%arg16 : memref<!tpu.dma_semaphore, #tpu.memory_space<semaphore_mem>>) src(%arg8 : memref<4x8x1024xf32, #tpu.memory_space<vmem>>) dst(%dma_wait3A_109 : memref<4x8x1024xf32, #tpu.memory_space<hbm>>)
    return
  }
}

module attributes {stable_mosaic.version = 14 : i64} {
  func.func @_tc_block_alias(%arg0: i32, %arg1: i32, %arg2: memref<1x1792x1024xf32, #tpu.memory_space<vmem>>, %arg3: memref<1792x1024xf32, #tpu.memory_space<vmem>>, %arg4: memref<4x4096x1024xf32, #tpu.memory_space<any>>, %arg5: memref<1x1792x1024xf32, #tpu.memory_space<vmem>>) attributes {dimension_semantics = [#tpu.dimension_semantics<arbitrary>, #tpu.dimension_semantics<arbitrary>], iteration_bounds = array<i64: 2, 4>, scalar_prefetch = 0 : i64, scratch_operands = 0 : i64, tpu.core_type = #tpu.core_type<tc>, window_params = [{transform_indices = @transform_0, window_bounds = array<i64: 1, 1792, 1024>}, {transform_indices = @transform_1, window_bounds = array<i64: 1792, 1024>}, {}, {transform_indices = @transform_3, window_bounds = array<i64: 1, 1792, 1024>}]} {
    %get3A = arith.constant 0 : index
    %get3A_0 = arith.constant 0 : index
    %get3A_1 = arith.constant 0 : index
    %get3A_2 = vector.load %arg2[%get3A, %get3A_0, %get3A_1] : memref<1x1792x1024xf32, #tpu.memory_space<vmem>>, vector<1x1792x1024xf32>
    %get3A_3 = arith.constant 0 : index
    %get3A_4 = arith.constant 0 : index
    %get3A_5 = vector.load %arg3[%get3A_3, %get3A_4] : memref<1792x1024xf32, #tpu.memory_space<vmem>>, vector<1792x1024xf32>
    %broadcast_in_dim3A = vector.shape_cast %get3A_5 : vector<1792x1024xf32> to vector<1x1792x1024xf32>
    %add3A = arith.addf %get3A_2, %broadcast_in_dim3A : vector<1x1792x1024xf32>
    %swap3A = arith.constant 0 : index
    %swap3A_6 = arith.constant 0 : index
    %swap3A_7 = arith.constant 0 : index
    %swap3A_8 = vector.load %arg5[%swap3A, %swap3A_6, %swap3A_7] : memref<1x1792x1024xf32, #tpu.memory_space<vmem>>, vector<1x1792x1024xf32>
    tpu.vector_store %arg5[%swap3A, %swap3A_6, %swap3A_7], %add3A {strides = array<i32>} : memref<1x1792x1024xf32, #tpu.memory_space<vmem>>, vector<1x1792x1024xf32>,
    return
  }
  func.func @transform_0(%arg0: i32, %arg1: i32) -> (i32, i32, i32) {
    %c0_i32 = arith.constant 0 : i32
    %c0_i32_0 = arith.constant 0 : i32
    return %arg1, %arg0, %c0_i32 : i32, i32, i32
  }
  func.func @transform_1(%arg0: i32, %arg1: i32) -> (i32, i32) {
    %c0_i32 = arith.constant 0 : i32
    %c0_i32_0 = arith.constant 0 : i32
    return %arg0, %c0_i32 : i32, i32
  }
  func.func @transform_3(%arg0: i32, %arg1: i32) -> (i32, i32, i32) {
    %c0_i32 = arith.constant 0 : i32
    %c0_i32_0 = arith.constant 0 : i32
    return %arg1, %arg0, %c0_i32 : i32, i32, i32
  }
}

</mosaic_0001>

<sc_bundles>
// kernel: kernel.4.cloned.1.call-start
scs
__scs_entry_jumppad:
0x0: {  	(pc) =	sbr.rel $0x88, $3  }
0x1: {  	(tag) =	ssettag $0x0;
	lr =	simm.s32 $0x1  }
0x2: {  	[smem:$0x3F9F] =	sst lr;
	_ =	strace $0xD0000000  }
0x3: {  	_ = 	snop  }
0x4: {  	_ = 	snop  }
0x5: {  	_ = 	snop  }
0x6: {  	_ = 	snop  }
0x7: {  	_ = 	snop  }
__scs_overlays_trampoline_lowered:
0x8: {  	[smem:$0x3FAE] =	sst s0  }
0x9: {  	[smem:$0x3FAF] =	sst s1  }
0xa: {  	[smem:$0x3FB0] =	sst s2  }
0xb: {  	[smem:$0x3FB1] =	sst s3  }
0xc: {  	[smem:$0x3FB2] =	sst s4  }
0xd: {  	[smem:$0x3FB3] =	sst s5  }
0xe: {  	[smem:$0x3FB4] =	sst s6  }
0xf: {  	[smem:$0x3FB5] =	sst s7  }
0x10: {  	[smem:$0x3FB6] =	sst s8  }
0x11: {  	[smem:$0x3FB7] =	sst s9;
	s0 =	simm.s32 @!p0 $0x0  }
0x12: {  	s1 =	sld [smem:$0x3F9D];
	s0 =	simm.s32 @p0 $0x1  }
0x13: {  	[smem:$0x3FB8] =	sst s0;
	s0 =	simm.s32 @!p1 $0x0  }
0x14: {  	s2 =	sld [smem:$0x3F9C];
	s0 =	simm.s32 @p1 $0x1  }
0x15: {  	[smem:$0x3FB9] =	sst s0;
	s0 =	simm.s32 @!p2 $0x0  }
0x16: {  	s3 =	sld [smem:$0x3FDB];
	s0 =	simm.s32 @p2 $0x1  }
0x17: {  	s4 =	simm.s32 $0x1BF5;
	[smem:$0x3FBB] =	sst s0  }
0x18: {  	s0 =	sld [smem:$0x3F9E];
	_ =	swait.ge [sflag:s4], $0x0  }
0x19: {  	s7 =	sld [smem:$0x3F9F]  }
0x1a: {  	s8 =	sadd.s32 $0xFFFFE003, lr  }
0x1b: {  	s9 =	sadd.s32 $0xFFFFFEF7, lr;
	s5 =	simm.s32 $0xFFFFFFFF;
	p2 =	slt.u32 s8, $0xFFFFF086  }
0x1c: {  	p1 =	slt.u32 s9, $0xF7A;
	s5 =	simm.s32 @!p2 $0x0  }
0x1d: {  	s5 =	simm.s32 @p1 $0x1;
	p0 =	seq.s32 s7, s2  }
0x1e: {  	s7 =	smul.u32 @!p0 $0xF7A, s2;
	p2 =	seq.s32 @!p0 s5, $0x0  }
0x1f: {  	s9 =	smul.u32 $0xF7A, s1;
	s8 =	simm.s32 @!p0 $0x1BF5;
	p2 =	por !p2, p0  }
0x20: {  	[sflag:s8] =	ssyncset.s32 @!p0 $0xFFFFF086;
	s6 =	sadd.s32 @!p0 s3, s7;
	s7 =	simm.s32 @!p0 $0x108  }
0x21: {  	s3 =	sadd.s32 s3, s9;
	s6 =	sadd.s32 @!p0 $0x88, s6;
	s7 =	simm.s32 @p2 $0x1082  }
0x22: {  	[simem:s7], [sflag:s8] =	dma.local @!p0 [hbm:s6], $0xF7A  }
0x23: {  	s9 =	sor.u32 $0xD0000000, s2;
	s6 =	simm.s32 $0x108;
	_ =	swait.ge @!p0 [sflag:s8], $0x0  }
0x24: {  	s3 =	sadd.s32 $0x88, s3;
	s6 =	simm.s32 @!p1 $0x1082;
	[sflag:s4] =	ssyncset.s32 $0xFFFFF086  }
0x25: {  	[simem:s6], [sflag:s4] =	dma.local [hbm:s3], $0xF7A  }
0x26: {  	[smem:$0x3F9F] =	sst s1;
	(tag) =	ssettag s2;
	_ =	strace s9  }
0x27: {  	s1 =	sld [smem:$0x3FAF]  }
0x28: {  	s2 =	sld [smem:$0x3FB0]  }
0x29: {  	s4 =	sld [smem:$0x3FB2]  }
0x2a: {  	p0 =	seq.s32 s5, $0x0;
	s5 =	sld [smem:$0x3FB3]  }
0x2b: {  	s6 =	sld [smem:$0x3FB4]  }
0x2c: {  	s7 =	sld [smem:$0x3FB5]  }
0x2d: {  	s3 =	simm.s32 $0x108;
	s8 =	sld [smem:$0x3FB6]  }
0x2e: {  	s3 =	simm.s32 @!p0 $0x1082;
	s9 =	sld [smem:$0x3FB7]  }
0x2f: {  	lr =	sadd.s32 s0, s3;
	s0 =	sld [smem:$0x3FAE]  }
0x30: {  	s3 =	sld [smem:$0x3FB1]  }
0x31: {  	[smem:$0x3FBA] =	sst s10  }
0x32: {  	s10 =	sld [smem:$0x3FB8];
	_ =	sdelay $0x3  }
0x33: {  	p0 =	seq.s32 s10, $0x1;
	s10 =	sld [smem:$0x3FBA];
	_ =	sdelay $0x3  }
0x34: {  	[smem:$0x3FBA] =	sst s10  }
0x35: {  	s10 =	sld [smem:$0x3FB9];
	_ =	sdelay $0x3  }
0x36: {  	p1 =	seq.s32 s10, $0x1;
	s10 =	sld [smem:$0x3FBA];
	_ =	sdelay $0x3  }
0x37: {  	[smem:$0x3FBA] =	sst s10  }
0x38: {  	s10 =	sld [smem:$0x3FBB]  }
0x39: {  	_ = 	snop;
	(pc) =	sbr.ind lr, $3  }
0x3a: {  	_ = 	snop  }
0x3b: {  	_ = 	snop  }
0x3c: {  	p2 =	seq.s32 s10, $0x1;
	s10 =	sld [smem:$0x3FBA]  }
0x3d: {  	_ =	shalt  }
0x3e: {  	_ =	shalt  }
0x3f: {  	_ =	shalt  }
0x40: {  	_ =	shalt  }
0x41: {  	_ =	shalt  }
0x42: {  	_ =	shalt  }
0x43: {  	_ =	shalt  }
0x44: {  	_ =	shalt  }
0x45: {  	_ =	shalt  }
0x46: {  	_ =	shalt  }
0x47: {  	_ =	shalt  }
0x48: {  	_ =	shalt  }
0x49: {  	_ =	shalt  }
0x4a: {  	_ =	shalt  }
0x4b: {  	_ =	shalt  }
0x4c: {  	_ =	shalt  }
0x4d: {  	_ =	shalt  }
0x4e: {  	_ =	shalt  }
0x4f: {  	_ =	shalt  }
0x50: {  	_ =	shalt  }
0x51: {  	_ =	shalt  }
0x52: {  	_ =	shalt  }
0x53: {  	_ =	shalt  }
0x54: {  	_ =	shalt  }
0x55: {  	_ =	shalt  }
0x56: {  	_ =	shalt  }
0x57: {  	_ =	shalt  }
0x58: {  	_ =	shalt  }
0x59: {  	_ =	shalt  }
0x5a: {  	_ =	shalt  }
0x5b: {  	_ =	shalt  }
0x5c: {  	_ =	shalt  }
0x5d: {  	_ =	shalt  }
0x5e: {  	_ =	shalt  }
0x5f: {  	_ =	shalt  }
0x60: {  	_ =	shalt  }
0x61: {  	_ =	shalt  }
0x62: {  	_ =	shalt  }
0x63: {  	_ =	shalt  }
0x64: {  	_ =	shalt  }
0x65: {  	_ =	shalt  }
0x66: {  	_ =	shalt  }
0x67: {  	_ =	shalt  }
0x68: {  	_ =	shalt  }
0x69: {  	_ =	shalt  }
0x6a: {  	_ =	shalt  }
0x6b: {  	_ =	shalt  }
0x6c: {  	_ =	shalt  }
0x6d: {  	_ =	shalt  }
0x6e: {  	_ =	shalt  }
0x6f: {  	_ =	shalt  }
0x70: {  	_ =	shalt  }
0x71: {  	_ =	shalt  }
0x72: {  	_ =	shalt  }
0x73: {  	_ =	shalt  }
0x74: {  	_ =	shalt  }
0x75: {  	_ =	shalt  }
0x76: {  	_ =	shalt  }
0x77: {  	_ =	shalt  }
0x78: {  	_ =	shalt  }
0x79: {  	_ =	shalt  }
0x7a: {  	_ =	shalt  }
0x7b: {  	_ =	shalt  }
0x7c: {  	_ =	shalt  }
0x7d: {  	_ =	shalt  }
0x7e: {  	_ =	shalt  }
0x7f: {  	_ =	shalt  }
0x80: {  	_ =	shalt  }
0x81: {  	_ =	shalt  }
0x82: {  	_ =	shalt  }
0x83: {  	_ =	shalt  }
0x84: {  	_ =	shalt  }
0x85: {  	_ =	shalt  }
0x86: {  	_ =	shalt  }
0x87: {  	_ =	shalt  }
.Lfunc_end0:
.L_simem_size_0:
called_computation_lowered:
.L_overlay_start_0:
0x88: {  	s2 =	sld [smem:$0x3FD9]  }
0x89: {  	s3 =	sld [smem:$0x3FFE];
	_ =	sdelay $0x1  }
0x8a: {  	s1 =	srdreg.scid  }
0x8b: {  	s0 =	sand.u32 $0x1, s1  }
0x8c: {  	s18 =	sshll.u32 s0, $0xA;
	s2 =	sadd.s32 s3, s2  }
0x8d: {  	s2 =	sadd.s32 s2, s18  }
0x8e: {  	[smem:$0x3FC6] =	sst s2  }
0x8f: {  	_ = 	snop  }
0x90: {  	s2 =	sld [smem:$0x3FC9]  }
0x91: {  	s19 =	sld [smem:$0x3FC8]  }
0x92: {  	s4 =	sld [smem:$0x3FD0];
	(tm) =	ssettm $0x1  }
0x93: {  	s5 =	sld [smem:$0x3FFB];
	_ =	sdelay $0x3  }
0x94: {  	_ =	strace s5  }
0x95: {  	s5 =	sld [smem:$0x3FFC];
	_ =	sdelay $0x3  }
0x96: {  	_ =	strace s5  }
0x97: {  	s5 =	sld [smem:$0x3FFD];
	_ =	sdelay $0x3  }
0x98: {  	_ =	strace s5  }
0x99: {  	_ =	strace $0x8FFFFFFF  }
0x9a: {  	s20 =	sld [smem:$0x3FDB];
	_ =	sdelay $0x1  }
0x9b: {  	s6 =	simm.s32 $_scs_section_size  }
0x9c: {  	s7 =	simm.s32 $_size__tile_overlayer_lowered;
	s8 =	simm.s32 $_tile_overlayer_lowered  }
0x9d: {  	s23 =	simm.s32 $0x1BFF;
	s22 =	sshll.u32 s8, $0x1;
	s5 =	sadd.s32 s6, s20  }
0x9e: {  	s9 =	simm.s32 $0x0;
	s21 =	sshll.u32 s7, $0x1;
	s7 =	sadd.s32 s22, s5  }
0x9f: {  	[timem:s9], [sflag:s23] =	dma.local [hbm:s7], s21  }
0xa0: {  	_ =	swait.ge [sflag:s23], s21  }
0xa1: {  	s6 =	ssub.s32 $0x0, s21;
	[sflag:s23] =	ssyncset.done $0x0  }
0xa2: {  	[sflag:s23] =	ssyncadd.s32 s6;
	_ =	sdelay $0x1  }
0xa3: {  	s24 =	simm.s32 $0x1B8B  }
0xa4: {  	_ =	swait.ge [sflag:s24], $0x1  }
0xa5: {  	[sflag:s24] =	ssyncset.done $0x0  }
0xa6: {  	s25 =	simm.s32 $0x1B8E;
	[sflag:s24] =	ssyncadd.s32 $0xFFFFFFFF  }
0xa7: {  	s26 =	simm.s32 $execute0_lowered;
	[smem:$0x3FD2] =	sst s25  }
0xa8: {  	s6 =	sshll.u32 s26, $0x1;
	_ =	strace $0x80000046;
	[dreg:$0x1] =	wrdreg $0xFFFFFFFF  }
0xa9: {  	s28 =	simm.s32 $_size_execute0_lowered;
	s5 =	sadd.s32 s5, s6;
	[dreg:$0x0] =	wrdreg $0x0  }
0xaa: {  	s6 =	sshll.u32 s28, $0x1;
	[dreg:$0x2] =	wrdreg s5  }
0xab: {  	[dreg:$0x3] =	wrdreg s6  }
0xac: {  	[dreg:$0x4] =	wrdreg $0xC0  }
0xad: {  	_ =	task [dreg:s9], $0x5FFFF  }
0xae: {  	[dreg:$0x1] =	wrdreg $0xFFFFFFFF  }
0xaf: {  	[dreg:$0x0] =	wrdreg $0x60  }
0xb0: {  	[dreg:$0x2] =	wrdreg s19  }
0xb1: {  	[dreg:$0x3] =	wrdreg s2  }
0xb2: {  	[dreg:$0x4] =	wrdreg s4  }
0xb3: {  	[dreg:$0x5] =	wrdreg $0x9  }
0xb4: {  	_ =	task.clear_ibuf [dreg:s9], $0x6FFFF;
	_ =	strace $0x90000046  }
0xb5: {  	s29 =	simm.s32 $0x9;
	_ =	strace $0x80000048  }
0xb6: {  	_ =	swait.ge [sflag:s29], $0x1  }
0xb7: {  	[sflag:s29] =	ssyncadd.s32 $0xFFFFFFFF  }
0xb8: {  	_ =	strace $0x90000048  }
0xb9: {  	_ =	sfence  }
0xba: {  	s30 =	sld [smem:$0x0];
	_ =	sdelay $0x2  }
0xbb: {  	s31 =	sshll.u32 s1, $0xD;
	s1 =	sshrl.u32 s1, $0x2  }
0xbc: {  	s3 =	sand.u32 $0x4000, s31;
	s1 =	sadd.s32 s1, s30  }
0xbd: {  	s0 =	sor.u32 s3, s0;
	s1 =	sshll.u32 s1, $0x11  }
0xbe: {  	s0 =	sor.u32 s1, s0  }
0xbf: {  	s0 =	sadd.s32 $0x8F2B, s0  }
0xc0: {  	[sflag:s0] =	ssyncadd.remote.s32 $0x1  }
0xc1: {  	_ =	sfence.sel $0xFFFF  }
0xc2: {  	[dreg:$0x0] =	wrdreg $0xFFFFFFFF;
	(pc) =	sbr.abs _section_cstart, $3  }
0xc3: {  	[dreg:$0x1] =	wrdreg $0xFFFFFFFF  }
0xc4: {  	_ =	task.clear_ibuf [dreg:s9], $0x2FFFF;
	_ =	strace $0x9FFFFFFF  }
0xc5: {  	(tm) =	ssettm $0x7FFFFFFF  }
tec
execute0_lowered:
.L_overlay_start_1:
0x0: {  	(tag) =	ssettag $0x1  }
0x1: {  	s4 =	rddreg [dreg:$0x0]  }
0x2: {  	s6 =	rddreg [dreg:$0x1]  }
0x3: {  	s8 =	rddreg [dreg:$0x2]  }
0x4: {  	s0 =	rddreg [dreg:$0x3];
	s2 =	simm.s32 $0x0;
	s3 =	srdreg.scid  }
0x5: {  	s1 =	stileid.u32;
	s11 =	simm.s32 $0x400000;
	s12 =	simm.s32 $0xC000  }
0x6: {  	s13 =	simm.s32 $0x1;
	s14 =	simm.s32 $0x3;
	s15 =	simm.s32 $0x4000  }
0x7: {  	s16 =	simm.s32 $0x2;
	s17 =	simm.s32 $0x4;
	s18 =	simm.s32 $0x5  }
0x8: {  	s19 =	simm.s32 $0x6;
	[smem:$0x7FF] =	sst s2;
	s3 =	sand.u32 $0x1, s3  }
0x9: {  	s7 =	sshll.u32 s1, $0xC;
	s5 =	ssub.s32 $0x2, s3;
	s3 =	sshll.u32 s3, $0xB  }
0xa: {  	s20 =	simm.s32 $0x0;
	_ =	strace $0x80000047;
	s3 =	sor.u32 s3, s7  }
0xb: {  	s9 =	sshrl.u32 s5, $0x1;
	s7 =	sor.u32 $0x70000, s3;
	s10 =	sor.u32 $0x70400, s3  }
0xc: {  	s9 =	ssub.s32 s5, s9;
	s3 =	sadd.s32 s4, s7;
	s4 =	sadd.s32 s4, s10  }
0xd: {  	s5 =	sadd.s32 s6, s7;
	s6 =	sadd.s32 s6, s10;
	s7 =	sadd.s32 s8, s7  }
0xe: {  	s8 =	sadd.s32 s8, s10;
	s9 =	smax.u32 s9, $0x1;
	s10 =	simm.s32 $0x2000  }
.LBB2_1:
0xf: {  	[tilespmem:s2], [sflag:$0x1] =	stream.linear.gather [hbm4b:s3+s2], $0x2000, $0x38;
	[tilespmem:$0x14000] =	vst v63  }
0x10: {  	_ = 	snop  }
0x11: {  	[tilespmem:s10], [sflag:$0x2] =	stream.linear.gather [hbm4b:s4+s2], $0x2000, $0x38;
	[tilespmem:$0x14000] =	vst v63  }
0x12: {  	_ = 	snop  }
0x13: {  	[tilespmem:s15], [sflag:$0x3] =	stream.strided.gather [hbm4b:s5+s10], $0x8000, s11, s10, $0x38;
	[tilespmem:$0x14000] =	vst v63  }
0x14: {  	_ = 	snop  }
0x15: {  	[tilespmem:s12], [sflag:$0x4] =	stream.strided.gather [hbm4b:s6+s10], $0x8000, s11, s10, $0x38;
	[tilespmem:$0x14000] =	vst v63  }
0x16: {  	_ =	swait.ge [sflag:s13], $0x2000  }
0x17: {  	[sflag:s13] =	ssyncset.done $0x0  }
0x18: {  	[sflag:s13] =	ssyncadd.s32 $0xFFFFE000  }
0x19: {  	_ =	swait.ge [sflag:s14], $0x8000  }
0x1a: {  	[sflag:s14] =	ssyncset.done $0x0  }
0x1b: {  	s21 =	simm.s32 $0x4000;
	s22 =	simm.s32 $0x0;
	[sflag:s14] =	ssyncadd.s32 $0xFFFF8000  }
.LBB2_2:
0x1c: {  	s23 =	simm.s32 $0x0;
	s24 =	simm.s32 $0x200  }
.LBB2_3:
0x1d: {  	p0 =	sne.s32 s24, $0xE00;
	v0 =	vld [tilespmem:s23+$0x0];
	_ =	sdelay $0x3  }
0x1e: {  	s25 =	sadd.s32 s23, s21  }
0x1f: {  	[tilespmem:s25+$0x0] =	vst.add.f32.msk $0xffff, v0  }
0x20: {  	v0 =	vld [tilespmem:s23+$0x10];
	_ =	sdelay $0x4  }
0x21: {  	[tilespmem:s25+$0x10] =	vst.add.f32.msk $0xffff, v0  }
0x22: {  	v0 =	vld [tilespmem:s23+$0x20];
	_ =	sdelay $0x4  }
0x23: {  	[tilespmem:s25+$0x20] =	vst.add.f32.msk $0xffff, v0  }
0x24: {  	v0 =	vld [tilespmem:s23+$0x30];
	_ =	sdelay $0x4  }
0x25: {  	[tilespmem:s25+$0x30] =	vst.add.f32.msk $0xffff, v0  }
0x26: {  	v0 =	vld [tilespmem:s23+$0x40];
	_ =	sdelay $0x4  }
0x27: {  	[tilespmem:s25+$0x40] =	vst.add.f32.msk $0xffff, v0  }
0x28: {  	v0 =	vld [tilespmem:s23+$0x50];
	_ =	sdelay $0x4  }
0x29: {  	[tilespmem:s25+$0x50] =	vst.add.f32.msk $0xffff, v0  }
0x2a: {  	v0 =	vld [tilespmem:s23+$0x60];
	_ =	sdelay $0x4  }
0x2b: {  	[tilespmem:s25+$0x60] =	vst.add.f32.msk $0xffff, v0  }
0x2c: {  	v0 =	vld [tilespmem:s23+$0x70];
	_ =	sdelay $0x4  }
0x2d: {  	[tilespmem:s25+$0x70] =	vst.add.f32.msk $0xffff, v0  }
0x2e: {  	v0 =	vld [tilespmem:s23+$0x400];
	_ =	sdelay $0x4  }
0x2f: {  	[tilespmem:s25+$0x400] =	vst.add.f32.msk $0xffff, v0  }
0x30: {  	v0 =	vld [tilespmem:s23+$0x410];
	_ =	sdelay $0x4  }
0x31: {  	[tilespmem:s25+$0x410] =	vst.add.f32.msk $0xffff, v0  }
0x32: {  	v0 =	vld [tilespmem:s23+$0x420];
	_ =	sdelay $0x4  }
0x33: {  	[tilespmem:s25+$0x420] =	vst.add.f32.msk $0xffff, v0  }
0x34: {  	v0 =	vld [tilespmem:s23+$0x430];
	_ =	sdelay $0x4  }
0x35: {  	[tilespmem:s25+$0x430] =	vst.add.f32.msk $0xffff, v0  }
0x36: {  	v0 =	vld [tilespmem:s23+$0x440];
	_ =	sdelay $0x4  }
0x37: {  	[tilespmem:s25+$0x440] =	vst.add.f32.msk $0xffff, v0  }
0x38: {  	v0 =	vld [tilespmem:s23+$0x450];
	_ =	sdelay $0x4  }
0x39: {  	[tilespmem:s25+$0x450] =	vst.add.f32.msk $0xffff, v0  }
0x3a: {  	v0 =	vld [tilespmem:s23+$0x460];
	_ =	sdelay $0x4  }
0x3b: {  	[tilespmem:s25+$0x460] =	vst.add.f32.msk $0xffff, v0  }
0x3c: {  	v0 =	vld [tilespmem:s23+$0x470];
	_ =	sdelay $0x4  }
0x3d: {  	[tilespmem:s25+$0x470] =	vst.add.f32.msk $0xffff, v0  }
0x3e: {  	v0 =	vld [tilespmem:s23+$0x800];
	_ =	sdelay $0x4  }
0x3f: {  	[tilespmem:s25+$0x800] =	vst.add.f32.msk $0xffff, v0  }
0x40: {  	v0 =	vld [tilespmem:s23+$0x810];
	_ =	sdelay $0x4  }
0x41: {  	[tilespmem:s25+$0x810] =	vst.add.f32.msk $0xffff, v0  }
0x42: {  	v0 =	vld [tilespmem:s23+$0x820];
	_ =	sdelay $0x4  }
0x43: {  	[tilespmem:s25+$0x820] =	vst.add.f32.msk $0xffff, v0  }
0x44: {  	v0 =	vld [tilespmem:s23+$0x830];
	_ =	sdelay $0x4  }
0x45: {  	[tilespmem:s25+$0x830] =	vst.add.f32.msk $0xffff, v0  }
0x46: {  	v0 =	vld [tilespmem:s23+$0x840];
	_ =	sdelay $0x4  }
0x47: {  	[tilespmem:s25+$0x840] =	vst.add.f32.msk $0xffff, v0  }
0x48: {  	v0 =	vld [tilespmem:s23+$0x850];
	_ =	sdelay $0x4  }
0x49: {  	[tilespmem:s25+$0x850] =	vst.add.f32.msk $0xffff, v0  }
0x4a: {  	v0 =	vld [tilespmem:s23+$0x860];
	_ =	sdelay $0x4  }
0x4b: {  	[tilespmem:s25+$0x860] =	vst.add.f32.msk $0xffff, v0  }
0x4c: {  	v0 =	vld [tilespmem:s23+$0x870];
	_ =	sdelay $0x4  }
0x4d: {  	[tilespmem:s25+$0x870] =	vst.add.f32.msk $0xffff, v0  }
0x4e: {  	v0 =	vld [tilespmem:s23+$0xC00];
	_ =	sdelay $0x4  }
0x4f: {  	[tilespmem:s25+$0xC00] =	vst.add.f32.msk $0xffff, v0  }
0x50: {  	v0 =	vld [tilespmem:s23+$0xC10];
	_ =	sdelay $0x4  }
0x51: {  	[tilespmem:s25+$0xC10] =	vst.add.f32.msk $0xffff, v0  }
0x52: {  	v0 =	vld [tilespmem:s23+$0xC20];
	_ =	sdelay $0x4  }
0x53: {  	[tilespmem:s25+$0xC20] =	vst.add.f32.msk $0xffff, v0  }
0x54: {  	v0 =	vld [tilespmem:s23+$0xC30];
	_ =	sdelay $0x4  }
0x55: {  	[tilespmem:s25+$0xC30] =	vst.add.f32.msk $0xffff, v0  }
0x56: {  	v0 =	vld [tilespmem:s23+$0xC40];
	_ =	sdelay $0x4  }
0x57: {  	[tilespmem:s25+$0xC40] =	vst.add.f32.msk $0xffff, v0  }
0x58: {  	v0 =	vld [tilespmem:s23+$0xC50];
	_ =	sdelay $0x4  }
0x59: {  	[tilespmem:s25+$0xC50] =	vst.add.f32.msk $0xffff, v0  }
0x5a: {  	v0 =	vld [tilespmem:s23+$0xC60];
	_ =	sdelay $0x4  }
0x5b: {  	[tilespmem:s25+$0xC60] =	vst.add.f32.msk $0xffff, v0  }
0x5c: {  	v0 =	vld [tilespmem:s23+$0xC70];
	_ =	sdelay $0x4  }
0x5d: {  	[tilespmem:s25+$0xC70] =	vst.add.f32.msk $0xffff, v0  }
0x5e: {  	v0 =	vld [tilespmem:s23+$0x1000];
	_ =	sdelay $0x4  }
0x5f: {  	[tilespmem:s25+$0x1000] =	vst.add.f32.msk $0xffff, v0  }
0x60: {  	v0 =	vld [tilespmem:s23+$0x1010];
	_ =	sdelay $0x4  }
0x61: {  	[tilespmem:s25+$0x1010] =	vst.add.f32.msk $0xffff, v0  }
0x62: {  	v0 =	vld [tilespmem:s23+$0x1020];
	_ =	sdelay $0x4  }
0x63: {  	[tilespmem:s25+$0x1020] =	vst.add.f32.msk $0xffff, v0  }
0x64: {  	v0 =	vld [tilespmem:s23+$0x1030];
	_ =	sdelay $0x4  }
0x65: {  	[tilespmem:s25+$0x1030] =	vst.add.f32.msk $0xffff, v0  }
0x66: {  	v0 =	vld [tilespmem:s23+$0x1040];
	_ =	sdelay $0x4  }
0x67: {  	[tilespmem:s25+$0x1040] =	vst.add.f32.msk $0xffff, v0  }
0x68: {  	v0 =	vld [tilespmem:s23+$0x1050];
	_ =	sdelay $0x4  }
0x69: {  	[tilespmem:s25+$0x1050] =	vst.add.f32.msk $0xffff, v0  }
0x6a: {  	v0 =	vld [tilespmem:s23+$0x1060];
	_ =	sdelay $0x4  }
0x6b: {  	[tilespmem:s25+$0x1060] =	vst.add.f32.msk $0xffff, v0  }
0x6c: {  	v0 =	vld [tilespmem:s23+$0x1070];
	_ =	sdelay $0x4  }
0x6d: {  	[tilespmem:s25+$0x1070] =	vst.add.f32.msk $0xffff, v0  }
0x6e: {  	v0 =	vld [tilespmem:s23+$0x1400];
	_ =	sdelay $0x4  }
0x6f: {  	[tilespmem:s25+$0x1400] =	vst.add.f32.msk $0xffff, v0  }
0x70: {  	v0 =	vld [tilespmem:s23+$0x1410];
	_ =	sdelay $0x4  }
0x71: {  	[tilespmem:s25+$0x1410] =	vst.add.f32.msk $0xffff, v0  }
0x72: {  	v0 =	vld [tilespmem:s23+$0x1420];
	_ =	sdelay $0x4  }
0x73: {  	[tilespmem:s25+$0x1420] =	vst.add.f32.msk $0xffff, v0  }
0x74: {  	v0 =	vld [tilespmem:s23+$0x1430];
	_ =	sdelay $0x4  }
0x75: {  	[tilespmem:s25+$0x1430] =	vst.add.f32.msk $0xffff, v0  }
0x76: {  	v0 =	vld [tilespmem:s23+$0x1440];
	_ =	sdelay $0x4  }
0x77: {  	[tilespmem:s25+$0x1440] =	vst.add.f32.msk $0xffff, v0  }
0x78: {  	v0 =	vld [tilespmem:s23+$0x1450];
	_ =	sdelay $0x4  }
0x79: {  	[tilespmem:s25+$0x1450] =	vst.add.f32.msk $0xffff, v0  }
0x7a: {  	v0 =	vld [tilespmem:s23+$0x1460];
	_ =	sdelay $0x4  }
0x7b: {  	[tilespmem:s25+$0x1460] =	vst.add.f32.msk $0xffff, v0  }
0x7c: {  	v0 =	vld [tilespmem:s23+$0x1470];
	_ =	sdelay $0x4  }
0x7d: {  	[tilespmem:s25+$0x1470] =	vst.add.f32.msk $0xffff, v0  }
0x7e: {  	v0 =	vld [tilespmem:s23+$0x1800];
	_ =	sdelay $0x4  }
0x7f: {  	[tilespmem:s25+$0x1800] =	vst.add.f32.msk $0xffff, v0  }
0x80: {  	v0 =	vld [tilespmem:s23+$0x1810];
	_ =	sdelay $0x4  }
0x81: {  	[tilespmem:s25+$0x1810] =	vst.add.f32.msk $0xffff, v0  }
0x82: {  	v0 =	vld [tilespmem:s23+$0x1820];
	_ =	sdelay $0x4  }
0x83: {  	[tilespmem:s25+$0x1820] =	vst.add.f32.msk $0xffff, v0  }
0x84: {  	v0 =	vld [tilespmem:s23+$0x1830];
	_ =	sdelay $0x4  }
0x85: {  	[tilespmem:s25+$0x1830] =	vst.add.f32.msk $0xffff, v0  }
0x86: {  	v0 =	vld [tilespmem:s23+$0x1840];
	_ =	sdelay $0x4  }
0x87: {  	[tilespmem:s25+$0x1840] =	vst.add.f32.msk $0xffff, v0  }
0x88: {  	v0 =	vld [tilespmem:s23+$0x1850];
	_ =	sdelay $0x4  }
0x89: {  	[tilespmem:s25+$0x1850] =	vst.add.f32.msk $0xffff, v0  }
0x8a: {  	v0 =	vld [tilespmem:s23+$0x1860];
	_ =	sdelay $0x4  }
0x8b: {  	[tilespmem:s25+$0x1860] =	vst.add.f32.msk $0xffff, v0  }
0x8c: {  	v0 =	vld [tilespmem:s23+$0x1870];
	_ =	sdelay $0x4  }
0x8d: {  	[tilespmem:s25+$0x1870] =	vst.add.f32.msk $0xffff, v0  }
0x8e: {  	v0 =	vld [tilespmem:s23+$0x1C00];
	_ =	sdelay $0x4  }
0x8f: {  	[tilespmem:s25+$0x1C00] =	vst.add.f32.msk $0xffff, v0  }
0x90: {  	v0 =	vld [tilespmem:s23+$0x1C10];
	_ =	sdelay $0x4  }
0x91: {  	[tilespmem:s25+$0x1C10] =	vst.add.f32.msk $0xffff, v0  }
0x92: {  	v0 =	vld [tilespmem:s23+$0x1C20];
	_ =	sdelay $0x4  }
0x93: {  	[tilespmem:s25+$0x1C20] =	vst.add.f32.msk $0xffff, v0  }
0x94: {  	v0 =	vld [tilespmem:s23+$0x1C30];
	_ =	sdelay $0x4  }
0x95: {  	[tilespmem:s25+$0x1C30] =	vst.add.f32.msk $0xffff, v0  }
0x96: {  	v0 =	vld [tilespmem:s23+$0x1C40];
	_ =	sdelay $0x4  }
0x97: {  	[tilespmem:s25+$0x1C40] =	vst.add.f32.msk $0xffff, v0  }
0x98: {  	v0 =	vld [tilespmem:s23+$0x1C50];
	_ =	sdelay $0x4  }
0x99: {  	[tilespmem:s25+$0x1C50] =	vst.add.f32.msk $0xffff, v0  }
0x9a: {  	v0 =	vld [tilespmem:s23+$0x1C60];
	_ =	sdelay $0x4  }
0x9b: {  	[tilespmem:s25+$0x1C60] =	vst.add.f32.msk $0xffff, v0  }
0x9c: {  	v0 =	vld [tilespmem:s23+$0x1C70]  }
.Ltmp0:
0x9d: {  	(pc) =	sbr.rel @p0 .LBB2_3-.Ltmp0, $2  }
0x9e: {  	_ =	sdelay $0x2  }
0x9f: {  	s23 =	sshra.s32 s24, $0x2;
	s24 =	sadd.s32 $0x200, s24;
	[tilespmem:s25+$0x1C70] =	vst.add.f32.msk $0xffff, v0  }
0xa0: {  	v0 =	vld [tilespmem:s23+$0x0];
	_ =	sdelay $0x3  }
0xa1: {  	s24 =	sadd.s32 s23, s21  }
0xa2: {  	[tilespmem:s24+$0x0] =	vst.add.f32.msk $0xffff, v0  }
0xa3: {  	v0 =	vld [tilespmem:s23+$0x10];
	_ =	sdelay $0x4  }
0xa4: {  	[tilespmem:s24+$0x10] =	vst.add.f32.msk $0xffff, v0  }
0xa5: {  	v0 =	vld [tilespmem:s23+$0x20];
	_ =	sdelay $0x4  }
0xa6: {  	[tilespmem:s24+$0x20] =	vst.add.f32.msk $0xffff, v0  }
0xa7: {  	v0 =	vld [tilespmem:s23+$0x30];
	_ =	sdelay $0x4  }
0xa8: {  	[tilespmem:s24+$0x30] =	vst.add.f32.msk $0xffff, v0  }
0xa9: {  	v0 =	vld [tilespmem:s23+$0x40];
	_ =	sdelay $0x4  }
0xaa: {  	[tilespmem:s24+$0x40] =	vst.add.f32.msk $0xffff, v0  }
0xab: {  	v0 =	vld [tilespmem:s23+$0x50];
	_ =	sdelay $0x4  }
0xac: {  	[tilespmem:s24+$0x50] =	vst.add.f32.msk $0xffff, v0  }
0xad: {  	v0 =	vld [tilespmem:s23+$0x60];
	_ =	sdelay $0x4  }
0xae: {  	[tilespmem:s24+$0x60] =	vst.add.f32.msk $0xffff, v0  }
0xaf: {  	v0 =	vld [tilespmem:s23+$0x70];
	_ =	sdelay $0x4  }
0xb0: {  	[tilespmem:s24+$0x70] =	vst.add.f32.msk $0xffff, v0  }
0xb1: {  	v0 =	vld [tilespmem:s23+$0x400];
	_ =	sdelay $0x4  }
0xb2: {  	[tilespmem:s24+$0x400] =	vst.add.f32.msk $0xffff, v0  }
0xb3: {  	v0 =	vld [tilespmem:s23+$0x410];
	_ =	sdelay $0x4  }
0xb4: {  	[tilespmem:s24+$0x410] =	vst.add.f32.msk $0xffff, v0  }
0xb5: {  	v0 =	vld [tilespmem:s23+$0x420];
	_ =	sdelay $0x4  }
0xb6: {  	[tilespmem:s24+$0x420] =	vst.add.f32.msk $0xffff, v0  }
0xb7: {  	v0 =	vld [tilespmem:s23+$0x430];
	_ =	sdelay $0x4  }
0xb8: {  	[tilespmem:s24+$0x430] =	vst.add.f32.msk $0xffff, v0  }
0xb9: {  	v0 =	vld [tilespmem:s23+$0x440];
	_ =	sdelay $0x4  }
0xba: {  	[tilespmem:s24+$0x440] =	vst.add.f32.msk $0xffff, v0  }
0xbb: {  	v0 =	vld [tilespmem:s23+$0x450];
	_ =	sdelay $0x4  }
0xbc: {  	[tilespmem:s24+$0x450] =	vst.add.f32.msk $0xffff, v0  }
0xbd: {  	v0 =	vld [tilespmem:s23+$0x460];
	_ =	sdelay $0x4  }
0xbe: {  	[tilespmem:s24+$0x460] =	vst.add.f32.msk $0xffff, v0  }
0xbf: {  	v0 =	vld [tilespmem:s23+$0x470];
	_ =	sdelay $0x4  }
0xc0: {  	[tilespmem:s24+$0x470] =	vst.add.f32.msk $0xffff, v0  }
0xc1: {  	v0 =	vld [tilespmem:s23+$0x800];
	_ =	sdelay $0x4  }
0xc2: {  	[tilespmem:s24+$0x800] =	vst.add.f32.msk $0xffff, v0  }
0xc3: {  	v0 =	vld [tilespmem:s23+$0x810];
	_ =	sdelay $0x4  }
0xc4: {  	[tilespmem:s24+$0x810] =	vst.add.f32.msk $0xffff, v0  }
0xc5: {  	v0 =	vld [tilespmem:s23+$0x820];
	_ =	sdelay $0x4  }
0xc6: {  	[tilespmem:s24+$0x820] =	vst.add.f32.msk $0xffff, v0  }
0xc7: {  	v0 =	vld [tilespmem:s23+$0x830];
	_ =	sdelay $0x4  }
0xc8: {  	[tilespmem:s24+$0x830] =	vst.add.f32.msk $0xffff, v0  }
0xc9: {  	v0 =	vld [tilespmem:s23+$0x840];
	_ =	sdelay $0x4  }
0xca: {  	[tilespmem:s24+$0x840] =	vst.add.f32.msk $0xffff, v0  }
0xcb: {  	v0 =	vld [tilespmem:s23+$0x850];
	_ =	sdelay $0x4  }
0xcc: {  	[tilespmem:s24+$0x850] =	vst.add.f32.msk $0xffff, v0  }
0xcd: {  	v0 =	vld [tilespmem:s23+$0x860];
	_ =	sdelay $0x4  }
0xce: {  	[tilespmem:s24+$0x860] =	vst.add.f32.msk $0xffff, v0  }
0xcf: {  	v0 =	vld [tilespmem:s23+$0x870];
	_ =	sdelay $0x4  }
0xd0: {  	[tilespmem:s24+$0x870] =	vst.add.f32.msk $0xffff, v0  }
0xd1: {  	v0 =	vld [tilespmem:s23+$0xC00];
	_ =	sdelay $0x4  }
0xd2: {  	[tilespmem:s24+$0xC00] =	vst.add.f32.msk $0xffff, v0  }
0xd3: {  	v0 =	vld [tilespmem:s23+$0xC10];
	_ =	sdelay $0x4  }
0xd4: {  	[tilespmem:s24+$0xC10] =	vst.add.f32.msk $0xffff, v0  }
0xd5: {  	v0 =	vld [tilespmem:s23+$0xC20];
	_ =	sdelay $0x4  }
0xd6: {  	[tilespmem:s24+$0xC20] =	vst.add.f32.msk $0xffff, v0  }
0xd7: {  	v0 =	vld [tilespmem:s23+$0xC30];
	_ =	sdelay $0x4  }
0xd8: {  	[tilespmem:s24+$0xC30] =	vst.add.f32.msk $0xffff, v0  }
0xd9: {  	v0 =	vld [tilespmem:s23+$0xC40];
	_ =	sdelay $0x4  }
0xda: {  	[tilespmem:s24+$0xC40] =	vst.add.f32.msk $0xffff, v0  }
0xdb: {  	v0 =	vld [tilespmem:s23+$0xC50];
	_ =	sdelay $0x4  }
0xdc: {  	[tilespmem:s24+$0xC50] =	vst.add.f32.msk $0xffff, v0  }
0xdd: {  	v0 =	vld [tilespmem:s23+$0xC60];
	_ =	sdelay $0x4  }
0xde: {  	[tilespmem:s24+$0xC60] =	vst.add.f32.msk $0xffff, v0  }
0xdf: {  	v0 =	vld [tilespmem:s23+$0xC70];
	_ =	sdelay $0x4  }
0xe0: {  	[tilespmem:s24+$0xC70] =	vst.add.f32.msk $0xffff, v0  }
0xe1: {  	v0 =	vld [tilespmem:s23+$0x1000];
	_ =	sdelay $0x4  }
0xe2: {  	[tilespmem:s24+$0x1000] =	vst.add.f32.msk $0xffff, v0  }
0xe3: {  	v0 =	vld [tilespmem:s23+$0x1010];
	_ =	sdelay $0x4  }
0xe4: {  	[tilespmem:s24+$0x1010] =	vst.add.f32.msk $0xffff, v0  }
0xe5: {  	v0 =	vld [tilespmem:s23+$0x1020];
	_ =	sdelay $0x4  }
0xe6: {  	[tilespmem:s24+$0x1020] =	vst.add.f32.msk $0xffff, v0  }
0xe7: {  	v0 =	vld [tilespmem:s23+$0x1030];
	_ =	sdelay $0x4  }
0xe8: {  	[tilespmem:s24+$0x1030] =	vst.add.f32.msk $0xffff, v0  }
0xe9: {  	v0 =	vld [tilespmem:s23+$0x1040];
	_ =	sdelay $0x4  }
0xea: {  	[tilespmem:s24+$0x1040] =	vst.add.f32.msk $0xffff, v0  }
0xeb: {  	v0 =	vld [tilespmem:s23+$0x1050];
	_ =	sdelay $0x4  }
0xec: {  	[tilespmem:s24+$0x1050] =	vst.add.f32.msk $0xffff, v0  }
0xed: {  	v0 =	vld [tilespmem:s23+$0x1060];
	_ =	sdelay $0x4  }
0xee: {  	[tilespmem:s24+$0x1060] =	vst.add.f32.msk $0xffff, v0  }
0xef: {  	v0 =	vld [tilespmem:s23+$0x1070];
	_ =	sdelay $0x4  }
0xf0: {  	[tilespmem:s24+$0x1070] =	vst.add.f32.msk $0xffff, v0  }
0xf1: {  	v0 =	vld [tilespmem:s23+$0x1400];
	_ =	sdelay $0x4  }
0xf2: {  	[tilespmem:s24+$0x1400] =	vst.add.f32.msk $0xffff, v0  }
0xf3: {  	v0 =	vld [tilespmem:s23+$0x1410];
	_ =	sdelay $0x4  }
0xf4: {  	[tilespmem:s24+$0x1410] =	vst.add.f32.msk $0xffff, v0  }
0xf5: {  	v0 =	vld [tilespmem:s23+$0x1420];
	_ =	sdelay $0x4  }
0xf6: {  	[tilespmem:s24+$0x1420] =	vst.add.f32.msk $0xffff, v0  }
0xf7: {  	v0 =	vld [tilespmem:s23+$0x1430];
	_ =	sdelay $0x4  }
0xf8: {  	[tilespmem:s24+$0x1430] =	vst.add.f32.msk $0xffff, v0  }
0xf9: {  	v0 =	vld [tilespmem:s23+$0x1440];
	_ =	sdelay $0x4  }
0xfa: {  	[tilespmem:s24+$0x1440] =	vst.add.f32.msk $0xffff, v0  }
0xfb: {  	v0 =	vld [tilespmem:s23+$0x1450];
	_ =	sdelay $0x4  }
0xfc: {  	[tilespmem:s24+$0x1450] =	vst.add.f32.msk $0xffff, v0  }
0xfd: {  	v0 =	vld [tilespmem:s23+$0x1460];
	_ =	sdelay $0x4  }
0xfe: {  	[tilespmem:s24+$0x1460] =	vst.add.f32.msk $0xffff, v0  }
0xff: {  	v0 =	vld [tilespmem:s23+$0x1470];
	_ =	sdelay $0x4  }
0x100: {  	[tilespmem:s24+$0x1470] =	vst.add.f32.msk $0xffff, v0  }
0x101: {  	v0 =	vld [tilespmem:s23+$0x1800];
	_ =	sdelay $0x4  }
0x102: {  	[tilespmem:s24+$0x1800] =	vst.add.f32.msk $0xffff, v0  }
0x103: {  	v0 =	vld [tilespmem:s23+$0x1810];
	_ =	sdelay $0x4  }
0x104: {  	[tilespmem:s24+$0x1810] =	vst.add.f32.msk $0xffff, v0  }
0x105: {  	v0 =	vld [tilespmem:s23+$0x1820];
	_ =	sdelay $0x4  }
0x106: {  	[tilespmem:s24+$0x1820] =	vst.add.f32.msk $0xffff, v0  }
0x107: {  	v0 =	vld [tilespmem:s23+$0x1830];
	_ =	sdelay $0x4  }
0x108: {  	[tilespmem:s24+$0x1830] =	vst.add.f32.msk $0xffff, v0  }
0x109: {  	v0 =	vld [tilespmem:s23+$0x1840];
	_ =	sdelay $0x4  }
0x10a: {  	[tilespmem:s24+$0x1840] =	vst.add.f32.msk $0xffff, v0  }
0x10b: {  	v0 =	vld [tilespmem:s23+$0x1850];
	_ =	sdelay $0x4  }
0x10c: {  	[tilespmem:s24+$0x1850] =	vst.add.f32.msk $0xffff, v0  }
0x10d: {  	v0 =	vld [tilespmem:s23+$0x1860];
	_ =	sdelay $0x4  }
0x10e: {  	[tilespmem:s24+$0x1860] =	vst.add.f32.msk $0xffff, v0  }
0x10f: {  	v0 =	vld [tilespmem:s23+$0x1870];
	_ =	sdelay $0x4  }
0x110: {  	[tilespmem:s24+$0x1870] =	vst.add.f32.msk $0xffff, v0  }
0x111: {  	v0 =	vld [tilespmem:s23+$0x1C00];
	_ =	sdelay $0x4  }
0x112: {  	[tilespmem:s24+$0x1C00] =	vst.add.f32.msk $0xffff, v0  }
0x113: {  	v0 =	vld [tilespmem:s23+$0x1C10];
	_ =	sdelay $0x4  }
0x114: {  	[tilespmem:s24+$0x1C10] =	vst.add.f32.msk $0xffff, v0  }
0x115: {  	v0 =	vld [tilespmem:s23+$0x1C20];
	_ =	sdelay $0x4  }
0x116: {  	[tilespmem:s24+$0x1C20] =	vst.add.f32.msk $0xffff, v0  }
0x117: {  	v0 =	vld [tilespmem:s23+$0x1C30];
	_ =	sdelay $0x4  }
0x118: {  	[tilespmem:s24+$0x1C30] =	vst.add.f32.msk $0xffff, v0  }
0x119: {  	v0 =	vld [tilespmem:s23+$0x1C40];
	_ =	sdelay $0x4  }
0x11a: {  	[tilespmem:s24+$0x1C40] =	vst.add.f32.msk $0xffff, v0  }
0x11b: {  	v0 =	vld [tilespmem:s23+$0x1C50];
	_ =	sdelay $0x4  }
0x11c: {  	[tilespmem:s24+$0x1C50] =	vst.add.f32.msk $0xffff, v0  }
0x11d: {  	v0 =	vld [tilespmem:s23+$0x1C60];
	_ =	sdelay $0x4  }
0x11e: {  	s22 =	sadd.s32 $0x1, s22;
	[tilespmem:s24+$0x1C60] =	vst.add.f32.msk $0xffff, v0  }
0x11f: {  	p0 =	sne.s32 s22, $0x4;
	v0 =	vld [tilespmem:s23+$0x1C70]  }
.Ltmp1:
0x120: {  	_ = 	snop;
	(pc) =	sbr.rel @p0 .LBB2_2-.Ltmp1, $2  }
0x121: {  	_ =	sdelay $0x2  }
0x122: {  	s21 =	sadd.s32 $0x2000, s21;
	[tilespmem:s24+$0x1C70] =	vst.add.f32.msk $0xffff, v0  }
0x123: {  	[hbm4b:s7+s10] =	stream.strided.scatter [tilespmem:s15], [sflag:$0x5], $0x8000, s11, s10, $0x38;
	[tilespmem:$0x14000] =	vst v63  }
0x124: {  	_ =	swait.ge [sflag:s16], $0x2000  }
0x125: {  	[sflag:s16] =	ssyncset.done $0x0  }
0x126: {  	[sflag:s16] =	ssyncadd.s32 $0xFFFFE000  }
0x127: {  	_ =	swait.ge [sflag:s17], $0x8000  }
0x128: {  	[sflag:s17] =	ssyncset.done $0x0  }
0x129: {  	s21 =	simm.s32 $0x0;
	s22 =	simm.s32 $0xC000;
	[sflag:s17] =	ssyncadd.s32 $0xFFFF8000  }
.LBB2_6:
0x12a: {  	s23 =	simm.s32 $0x0;
	s24 =	simm.s32 $0x200  }
.LBB2_7:
0x12b: {  	p0 =	sne.s32 s24, $0xE00;
	v0 =	vld [tilespmem:s23+$0x2000];
	_ =	sdelay $0x3  }
0x12c: {  	s25 =	sadd.s32 s23, s22  }
0x12d: {  	[tilespmem:s25+$0x0] =	vst.add.f32.msk $0xffff, v0  }
0x12e: {  	v0 =	vld [tilespmem:s23+$0x2010];
	_ =	sdelay $0x4  }
0x12f: {  	[tilespmem:s25+$0x10] =	vst.add.f32.msk $0xffff, v0  }
0x130: {  	v0 =	vld [tilespmem:s23+$0x2020];
	_ =	sdelay $0x4  }
0x131: {  	[tilespmem:s25+$0x20] =	vst.add.f32.msk $0xffff, v0  }
0x132: {  	v0 =	vld [tilespmem:s23+$0x2030];
	_ =	sdelay $0x4  }
0x133: {  	[tilespmem:s25+$0x30] =	vst.add.f32.msk $0xffff, v0  }
0x134: {  	v0 =	vld [tilespmem:s23+$0x2040];
	_ =	sdelay $0x4  }
0x135: {  	[tilespmem:s25+$0x40] =	vst.add.f32.msk $0xffff, v0  }
0x136: {  	v0 =	vld [tilespmem:s23+$0x2050];
	_ =	sdelay $0x4  }
0x137: {  	[tilespmem:s25+$0x50] =	vst.add.f32.msk $0xffff, v0  }
0x138: {  	v0 =	vld [tilespmem:s23+$0x2060];
	_ =	sdelay $0x4  }
0x139: {  	[tilespmem:s25+$0x60] =	vst.add.f32.msk $0xffff, v0  }
0x13a: {  	v0 =	vld [tilespmem:s23+$0x2070];
	_ =	sdelay $0x4  }
0x13b: {  	[tilespmem:s25+$0x70] =	vst.add.f32.msk $0xffff, v0  }
0x13c: {  	v0 =	vld [tilespmem:s23+$0x2400];
	_ =	sdelay $0x4  }
0x13d: {  	[tilespmem:s25+$0x400] =	vst.add.f32.msk $0xffff, v0  }
0x13e: {  	v0 =	vld [tilespmem:s23+$0x2410];
	_ =	sdelay $0x4  }
0x13f: {  	[tilespmem:s25+$0x410] =	vst.add.f32.msk $0xffff, v0  }
0x140: {  	v0 =	vld [tilespmem:s23+$0x2420];
	_ =	sdelay $0x4  }
0x141: {  	[tilespmem:s25+$0x420] =	vst.add.f32.msk $0xffff, v0  }
0x142: {  	v0 =	vld [tilespmem:s23+$0x2430];
	_ =	sdelay $0x4  }
0x143: {  	[tilespmem:s25+$0x430] =	vst.add.f32.msk $0xffff, v0  }
0x144: {  	v0 =	vld [tilespmem:s23+$0x2440];
	_ =	sdelay $0x4  }
0x145: {  	[tilespmem:s25+$0x440] =	vst.add.f32.msk $0xffff, v0  }
0x146: {  	v0 =	vld [tilespmem:s23+$0x2450];
	_ =	sdelay $0x4  }
0x147: {  	[tilespmem:s25+$0x450] =	vst.add.f32.msk $0xffff, v0  }
0x148: {  	v0 =	vld [tilespmem:s23+$0x2460];
	_ =	sdelay $0x4  }
0x149: {  	[tilespmem:s25+$0x460] =	vst.add.f32.msk $0xffff, v0  }
0x14a: {  	v0 =	vld [tilespmem:s23+$0x2470];
	_ =	sdelay $0x4  }
0x14b: {  	[tilespmem:s25+$0x470] =	vst.add.f32.msk $0xffff, v0  }
0x14c: {  	v0 =	vld [tilespmem:s23+$0x2800];
	_ =	sdelay $0x4  }
0x14d: {  	[tilespmem:s25+$0x800] =	vst.add.f32.msk $0xffff, v0  }
0x14e: {  	v0 =	vld [tilespmem:s23+$0x2810];
	_ =	sdelay $0x4  }
0x14f: {  	[tilespmem:s25+$0x810] =	vst.add.f32.msk $0xffff, v0  }
0x150: {  	v0 =	vld [tilespmem:s23+$0x2820];
	_ =	sdelay $0x4  }
0x151: {  	[tilespmem:s25+$0x820] =	vst.add.f32.msk $0xffff, v0  }
0x152: {  	v0 =	vld [tilespmem:s23+$0x2830];
	_ =	sdelay $0x4  }
0x153: {  	[tilespmem:s25+$0x830] =	vst.add.f32.msk $0xffff, v0  }
0x154: {  	v0 =	vld [tilespmem:s23+$0x2840];
	_ =	sdelay $0x4  }
0x155: {  	[tilespmem:s25+$0x840] =	vst.add.f32.msk $0xffff, v0  }
0x156: {  	v0 =	vld [tilespmem:s23+$0x2850];
	_ =	sdelay $0x4  }
0x157: {  	[tilespmem:s25+$0x850] =	vst.add.f32.msk $0xffff, v0  }
0x158: {  	v0 =	vld [tilespmem:s23+$0x2860];
	_ =	sdelay $0x4  }
0x159: {  	[tilespmem:s25+$0x860] =	vst.add.f32.msk $0xffff, v0  }
0x15a: {  	v0 =	vld [tilespmem:s23+$0x2870];
	_ =	sdelay $0x4  }
0x15b: {  	[tilespmem:s25+$0x870] =	vst.add.f32.msk $0xffff, v0  }
0x15c: {  	v0 =	vld [tilespmem:s23+$0x2C00];
	_ =	sdelay $0x4  }
0x15d: {  	[tilespmem:s25+$0xC00] =	vst.add.f32.msk $0xffff, v0  }
0x15e: {  	v0 =	vld [tilespmem:s23+$0x2C10];
	_ =	sdelay $0x4  }
0x15f: {  	[tilespmem:s25+$0xC10] =	vst.add.f32.msk $0xffff, v0  }
0x160: {  	v0 =	vld [tilespmem:s23+$0x2C20];
	_ =	sdelay $0x4  }
0x161: {  	[tilespmem:s25+$0xC20] =	vst.add.f32.msk $0xffff, v0  }
0x162: {  	v0 =	vld [tilespmem:s23+$0x2C30];
	_ =	sdelay $0x4  }
0x163: {  	[tilespmem:s25+$0xC30] =	vst.add.f32.msk $0xffff, v0  }
0x164: {  	v0 =	vld [tilespmem:s23+$0x2C40];
	_ =	sdelay $0x4  }
0x165: {  	[tilespmem:s25+$0xC40] =	vst.add.f32.msk $0xffff, v0  }
0x166: {  	v0 =	vld [tilespmem:s23+$0x2C50];
	_ =	sdelay $0x4  }
0x167: {  	[tilespmem:s25+$0xC50] =	vst.add.f32.msk $0xffff, v0  }
0x168: {  	v0 =	vld [tilespmem:s23+$0x2C60];
	_ =	sdelay $0x4  }
0x169: {  	[tilespmem:s25+$0xC60] =	vst.add.f32.msk $0xffff, v0  }
0x16a: {  	v0 =	vld [tilespmem:s23+$0x2C70];
	_ =	sdelay $0x4  }
0x16b: {  	[tilespmem:s25+$0xC70] =	vst.add.f32.msk $0xffff, v0  }
0x16c: {  	v0 =	vld [tilespmem:s23+$0x3000];
	_ =	sdelay $0x4  }
0x16d: {  	[tilespmem:s25+$0x1000] =	vst.add.f32.msk $0xffff, v0  }
0x16e: {  	v0 =	vld [tilespmem:s23+$0x3010];
	_ =	sdelay $0x4  }
0x16f: {  	[tilespmem:s25+$0x1010] =	vst.add.f32.msk $0xffff, v0  }
0x170: {  	v0 =	vld [tilespmem:s23+$0x3020];
	_ =	sdelay $0x4  }
0x171: {  	[tilespmem:s25+$0x1020] =	vst.add.f32.msk $0xffff, v0  }
0x172: {  	v0 =	vld [tilespmem:s23+$0x3030];
	_ =	sdelay $0x4  }
0x173: {  	[tilespmem:s25+$0x1030] =	vst.add.f32.msk $0xffff, v0  }
0x174: {  	v0 =	vld [tilespmem:s23+$0x3040];
	_ =	sdelay $0x4  }
0x175: {  	[tilespmem:s25+$0x1040] =	vst.add.f32.msk $0xffff, v0  }
0x176: {  	v0 =	vld [tilespmem:s23+$0x3050];
	_ =	sdelay $0x4  }
0x177: {  	[tilespmem:s25+$0x1050] =	vst.add.f32.msk $0xffff, v0  }
0x178: {  	v0 =	vld [tilespmem:s23+$0x3060];
	_ =	sdelay $0x4  }
0x179: {  	[tilespmem:s25+$0x1060] =	vst.add.f32.msk $0xffff, v0  }
0x17a: {  	v0 =	vld [tilespmem:s23+$0x3070];
	_ =	sdelay $0x4  }
0x17b: {  	[tilespmem:s25+$0x1070] =	vst.add.f32.msk $0xffff, v0  }
0x17c: {  	v0 =	vld [tilespmem:s23+$0x3400];
	_ =	sdelay $0x4  }
0x17d: {  	[tilespmem:s25+$0x1400] =	vst.add.f32.msk $0xffff, v0  }
0x17e: {  	v0 =	vld [tilespmem:s23+$0x3410];
	_ =	sdelay $0x4  }
0x17f: {  	[tilespmem:s25+$0x1410] =	vst.add.f32.msk $0xffff, v0  }
0x180: {  	v0 =	vld [tilespmem:s23+$0x3420];
	_ =	sdelay $0x4  }
0x181: {  	[tilespmem:s25+$0x1420] =	vst.add.f32.msk $0xffff, v0  }
0x182: {  	v0 =	vld [tilespmem:s23+$0x3430];
	_ =	sdelay $0x4  }
0x183: {  	[tilespmem:s25+$0x1430] =	vst.add.f32.msk $0xffff, v0  }
0x184: {  	v0 =	vld [tilespmem:s23+$0x3440];
	_ =	sdelay $0x4  }
0x185: {  	[tilespmem:s25+$0x1440] =	vst.add.f32.msk $0xffff, v0  }
0x186: {  	v0 =	vld [tilespmem:s23+$0x3450];
	_ =	sdelay $0x4  }
0x187: {  	[tilespmem:s25+$0x1450] =	vst.add.f32.msk $0xffff, v0  }
0x188: {  	v0 =	vld [tilespmem:s23+$0x3460];
	_ =	sdelay $0x4  }
0x189: {  	[tilespmem:s25+$0x1460] =	vst.add.f32.msk $0xffff, v0  }
0x18a: {  	v0 =	vld [tilespmem:s23+$0x3470];
	_ =	sdelay $0x4  }
0x18b: {  	[tilespmem:s25+$0x1470] =	vst.add.f32.msk $0xffff, v0  }
0x18c: {  	v0 =	vld [tilespmem:s23+$0x3800];
	_ =	sdelay $0x4  }
0x18d: {  	[tilespmem:s25+$0x1800] =	vst.add.f32.msk $0xffff, v0  }
0x18e: {  	v0 =	vld [tilespmem:s23+$0x3810];
	_ =	sdelay $0x4  }
0x18f: {  	[tilespmem:s25+$0x1810] =	vst.add.f32.msk $0xffff, v0  }
0x190: {  	v0 =	vld [tilespmem:s23+$0x3820];
	_ =	sdelay $0x4  }
0x191: {  	[tilespmem:s25+$0x1820] =	vst.add.f32.msk $0xffff, v0  }
0x192: {  	v0 =	vld [tilespmem:s23+$0x3830];
	_ =	sdelay $0x4  }
0x193: {  	[tilespmem:s25+$0x1830] =	vst.add.f32.msk $0xffff, v0  }
0x194: {  	v0 =	vld [tilespmem:s23+$0x3840];
	_ =	sdelay $0x4  }
0x195: {  	[tilespmem:s25+$0x1840] =	vst.add.f32.msk $0xffff, v0  }
0x196: {  	v0 =	vld [tilespmem:s23+$0x3850];
	_ =	sdelay $0x4  }
0x197: {  	[tilespmem:s25+$0x1850] =	vst.add.f32.msk $0xffff, v0  }
0x198: {  	v0 =	vld [tilespmem:s23+$0x3860];
	_ =	sdelay $0x4  }
0x199: {  	[tilespmem:s25+$0x1860] =	vst.add.f32.msk $0xffff, v0  }
0x19a: {  	v0 =	vld [tilespmem:s23+$0x3870];
	_ =	sdelay $0x4  }
0x19b: {  	[tilespmem:s25+$0x1870] =	vst.add.f32.msk $0xffff, v0  }
0x19c: {  	v0 =	vld [tilespmem:s23+$0x3C00];
	_ =	sdelay $0x4  }
0x19d: {  	[tilespmem:s25+$0x1C00] =	vst.add.f32.msk $0xffff, v0  }
0x19e: {  	v0 =	vld [tilespmem:s23+$0x3C10];
	_ =	sdelay $0x4  }
0x19f: {  	[tilespmem:s25+$0x1C10] =	vst.add.f32.msk $0xffff, v0  }
0x1a0: {  	v0 =	vld [tilespmem:s23+$0x3C20];
	_ =	sdelay $0x4  }
0x1a1: {  	[tilespmem:s25+$0x1C20] =	vst.add.f32.msk $0xffff, v0  }
0x1a2: {  	v0 =	vld [tilespmem:s23+$0x3C30];
	_ =	sdelay $0x4  }
0x1a3: {  	[tilespmem:s25+$0x1C30] =	vst.add.f32.msk $0xffff, v0  }
0x1a4: {  	v0 =	vld [tilespmem:s23+$0x3C40];
	_ =	sdelay $0x4  }
0x1a5: {  	[tilespmem:s25+$0x1C40] =	vst.add.f32.msk $0xffff, v0  }
0x1a6: {  	v0 =	vld [tilespmem:s23+$0x3C50];
	_ =	sdelay $0x4  }
0x1a7: {  	[tilespmem:s25+$0x1C50] =	vst.add.f32.msk $0xffff, v0  }
0x1a8: {  	v0 =	vld [tilespmem:s23+$0x3C60];
	_ =	sdelay $0x4  }
0x1a9: {  	[tilespmem:s25+$0x1C60] =	vst.add.f32.msk $0xffff, v0  }
0x1aa: {  	v0 =	vld [tilespmem:s23+$0x3C70]  }
.Ltmp2:
0x1ab: {  	(pc) =	sbr.rel @p0 .LBB2_7-.Ltmp2, $2  }
0x1ac: {  	_ =	sdelay $0x2  }
0x1ad: {  	s23 =	sshra.s32 s24, $0x2;
	s24 =	sadd.s32 $0x200, s24;
	[tilespmem:s25+$0x1C70] =	vst.add.f32.msk $0xffff, v0  }
0x1ae: {  	v0 =	vld [tilespmem:s23+$0x2000];
	_ =	sdelay $0x3  }
0x1af: {  	s24 =	sadd.s32 s23, s22  }
0x1b0: {  	[tilespmem:s24+$0x0] =	vst.add.f32.msk $0xffff, v0  }
0x1b1: {  	v0 =	vld [tilespmem:s23+$0x2010];
	_ =	sdelay $0x4  }
0x1b2: {  	[tilespmem:s24+$0x10] =	vst.add.f32.msk $0xffff, v0  }
0x1b3: {  	v0 =	vld [tilespmem:s23+$0x2020];
	_ =	sdelay $0x4  }
0x1b4: {  	[tilespmem:s24+$0x20] =	vst.add.f32.msk $0xffff, v0  }
0x1b5: {  	v0 =	vld [tilespmem:s23+$0x2030];
	_ =	sdelay $0x4  }
0x1b6: {  	[tilespmem:s24+$0x30] =	vst.add.f32.msk $0xffff, v0  }
0x1b7: {  	v0 =	vld [tilespmem:s23+$0x2040];
	_ =	sdelay $0x4  }
0x1b8: {  	[tilespmem:s24+$0x40] =	vst.add.f32.msk $0xffff, v0  }
0x1b9: {  	v0 =	vld [tilespmem:s23+$0x2050];
	_ =	sdelay $0x4  }
0x1ba: {  	[tilespmem:s24+$0x50] =	vst.add.f32.msk $0xffff, v0  }
0x1bb: {  	v0 =	vld [tilespmem:s23+$0x2060];
	_ =	sdelay $0x4  }
0x1bc: {  	[tilespmem:s24+$0x60] =	vst.add.f32.msk $0xffff, v0  }
0x1bd: {  	v0 =	vld [tilespmem:s23+$0x2070];
	_ =	sdelay $0x4  }
0x1be: {  	[tilespmem:s24+$0x70] =	vst.add.f32.msk $0xffff, v0  }
0x1bf: {  	v0 =	vld [tilespmem:s23+$0x2400];
	_ =	sdelay $0x4  }
0x1c0: {  	[tilespmem:s24+$0x400] =	vst.add.f32.msk $0xffff, v0  }
0x1c1: {  	v0 =	vld [tilespmem:s23+$0x2410];
	_ =	sdelay $0x4  }
0x1c2: {  	[tilespmem:s24+$0x410] =	vst.add.f32.msk $0xffff, v0  }
0x1c3: {  	v0 =	vld [tilespmem:s23+$0x2420];
	_ =	sdelay $0x4  }
0x1c4: {  	[tilespmem:s24+$0x420] =	vst.add.f32.msk $0xffff, v0  }
0x1c5: {  	v0 =	vld [tilespmem:s23+$0x2430];
	_ =	sdelay $0x4  }
0x1c6: {  	[tilespmem:s24+$0x430] =	vst.add.f32.msk $0xffff, v0  }
0x1c7: {  	v0 =	vld [tilespmem:s23+$0x2440];
	_ =	sdelay $0x4  }
0x1c8: {  	[tilespmem:s24+$0x440] =	vst.add.f32.msk $0xffff, v0  }
0x1c9: {  	v0 =	vld [tilespmem:s23+$0x2450];
	_ =	sdelay $0x4  }
0x1ca: {  	[tilespmem:s24+$0x450] =	vst.add.f32.msk $0xffff, v0  }
0x1cb: {  	v0 =	vld [tilespmem:s23+$0x2460];
	_ =	sdelay $0x4  }
0x1cc: {  	[tilespmem:s24+$0x460] =	vst.add.f32.msk $0xffff, v0  }
0x1cd: {  	v0 =	vld [tilespmem:s23+$0x2470];
	_ =	sdelay $0x4  }
0x1ce: {  	[tilespmem:s24+$0x470] =	vst.add.f32.msk $0xffff, v0  }
0x1cf: {  	v0 =	vld [tilespmem:s23+$0x2800];
	_ =	sdelay $0x4  }
0x1d0: {  	[tilespmem:s24+$0x800] =	vst.add.f32.msk $0xffff, v0  }
0x1d1: {  	v0 =	vld [tilespmem:s23+$0x2810];
	_ =	sdelay $0x4  }
0x1d2: {  	[tilespmem:s24+$0x810] =	vst.add.f32.msk $0xffff, v0  }
0x1d3: {  	v0 =	vld [tilespmem:s23+$0x2820];
	_ =	sdelay $0x4  }
0x1d4: {  	[tilespmem:s24+$0x820] =	vst.add.f32.msk $0xffff, v0  }
0x1d5: {  	v0 =	vld [tilespmem:s23+$0x2830];
	_ =	sdelay $0x4  }
0x1d6: {  	[tilespmem:s24+$0x830] =	vst.add.f32.msk $0xffff, v0  }
0x1d7: {  	v0 =	vld [tilespmem:s23+$0x2840];
	_ =	sdelay $0x4  }
0x1d8: {  	[tilespmem:s24+$0x840] =	vst.add.f32.msk $0xffff, v0  }
0x1d9: {  	v0 =	vld [tilespmem:s23+$0x2850];
	_ =	sdelay $0x4  }
0x1da: {  	[tilespmem:s24+$0x850] =	vst.add.f32.msk $0xffff, v0  }
0x1db: {  	v0 =	vld [tilespmem:s23+$0x2860];
	_ =	sdelay $0x4  }
0x1dc: {  	[tilespmem:s24+$0x860] =	vst.add.f32.msk $0xffff, v0  }
0x1dd: {  	v0 =	vld [tilespmem:s23+$0x2870];
	_ =	sdelay $0x4  }
0x1de: {  	[tilespmem:s24+$0x870] =	vst.add.f32.msk $0xffff, v0  }
0x1df: {  	v0 =	vld [tilespmem:s23+$0x2C00];
	_ =	sdelay $0x4  }
0x1e0: {  	[tilespmem:s24+$0xC00] =	vst.add.f32.msk $0xffff, v0  }
0x1e1: {  	v0 =	vld [tilespmem:s23+$0x2C10];
	_ =	sdelay $0x4  }
0x1e2: {  	[tilespmem:s24+$0xC10] =	vst.add.f32.msk $0xffff, v0  }
0x1e3: {  	v0 =	vld [tilespmem:s23+$0x2C20];
	_ =	sdelay $0x4  }
0x1e4: {  	[tilespmem:s24+$0xC20] =	vst.add.f32.msk $0xffff, v0  }
0x1e5: {  	v0 =	vld [tilespmem:s23+$0x2C30];
	_ =	sdelay $0x4  }
0x1e6: {  	[tilespmem:s24+$0xC30] =	vst.add.f32.msk $0xffff, v0  }
0x1e7: {  	v0 =	vld [tilespmem:s23+$0x2C40];
	_ =	sdelay $0x4  }
0x1e8: {  	[tilespmem:s24+$0xC40] =	vst.add.f32.msk $0xffff, v0  }
0x1e9: {  	v0 =	vld [tilespmem:s23+$0x2C50];
	_ =	sdelay $0x4  }
0x1ea: {  	[tilespmem:s24+$0xC50] =	vst.add.f32.msk $0xffff, v0  }
0x1eb: {  	v0 =	vld [tilespmem:s23+$0x2C60];
	_ =	sdelay $0x4  }
0x1ec: {  	[tilespmem:s24+$0xC60] =	vst.add.f32.msk $0xffff, v0  }
0x1ed: {  	v0 =	vld [tilespmem:s23+$0x2C70];
	_ =	sdelay $0x4  }
0x1ee: {  	[tilespmem:s24+$0xC70] =	vst.add.f32.msk $0xffff, v0  }
0x1ef: {  	v0 =	vld [tilespmem:s23+$0x3000];
	_ =	sdelay $0x4  }
0x1f0: {  	[tilespmem:s24+$0x1000] =	vst.add.f32.msk $0xffff, v0  }
0x1f1: {  	v0 =	vld [tilespmem:s23+$0x3010];
	_ =	sdelay $0x4  }
0x1f2: {  	[tilespmem:s24+$0x1010] =	vst.add.f32.msk $0xffff, v0  }
0x1f3: {  	v0 =	vld [tilespmem:s23+$0x3020];
	_ =	sdelay $0x4  }
0x1f4: {  	[tilespmem:s24+$0x1020] =	vst.add.f32.msk $0xffff, v0  }
0x1f5: {  	v0 =	vld [tilespmem:s23+$0x3030];
	_ =	sdelay $0x4  }
0x1f6: {  	[tilespmem:s24+$0x1030] =	vst.add.f32.msk $0xffff, v0  }
0x1f7: {  	v0 =	vld [tilespmem:s23+$0x3040];
	_ =	sdelay $0x4  }
0x1f8: {  	[tilespmem:s24+$0x1040] =	vst.add.f32.msk $0xffff, v0  }
0x1f9: {  	v0 =	vld [tilespmem:s23+$0x3050];
	_ =	sdelay $0x4  }
0x1fa: {  	[tilespmem:s24+$0x1050] =	vst.add.f32.msk $0xffff, v0  }
0x1fb: {  	v0 =	vld [tilespmem:s23+$0x3060];
	_ =	sdelay $0x4  }
0x1fc: {  	[tilespmem:s24+$0x1060] =	vst.add.f32.msk $0xffff, v0  }
0x1fd: {  	v0 =	vld [tilespmem:s23+$0x3070];
	_ =	sdelay $0x4  }
0x1fe: {  	[tilespmem:s24+$0x1070] =	vst.add.f32.msk $0xffff, v0  }
0x1ff: {  	v0 =	vld [tilespmem:s23+$0x3400];
	_ =	sdelay $0x4  }
0x200: {  	[tilespmem:s24+$0x1400] =	vst.add.f32.msk $0xffff, v0  }
0x201: {  	v0 =	vld [tilespmem:s23+$0x3410];
	_ =	sdelay $0x4  }
0x202: {  	[tilespmem:s24+$0x1410] =	vst.add.f32.msk $0xffff, v0  }
0x203: {  	v0 =	vld [tilespmem:s23+$0x3420];
	_ =	sdelay $0x4  }
0x204: {  	[tilespmem:s24+$0x1420] =	vst.add.f32.msk $0xffff, v0  }
0x205: {  	v0 =	vld [tilespmem:s23+$0x3430];
	_ =	sdelay $0x4  }
0x206: {  	[tilespmem:s24+$0x1430] =	vst.add.f32.msk $0xffff, v0  }
0x207: {  	v0 =	vld [tilespmem:s23+$0x3440];
	_ =	sdelay $0x4  }
0x208: {  	[tilespmem:s24+$0x1440] =	vst.add.f32.msk $0xffff, v0  }
0x209: {  	v0 =	vld [tilespmem:s23+$0x3450];
	_ =	sdelay $0x4  }
0x20a: {  	[tilespmem:s24+$0x1450] =	vst.add.f32.msk $0xffff, v0  }
0x20b: {  	v0 =	vld [tilespmem:s23+$0x3460];
	_ =	sdelay $0x4  }
0x20c: {  	[tilespmem:s24+$0x1460] =	vst.add.f32.msk $0xffff, v0  }
0x20d: {  	v0 =	vld [tilespmem:s23+$0x3470];
	_ =	sdelay $0x4  }
0x20e: {  	[tilespmem:s24+$0x1470] =	vst.add.f32.msk $0xffff, v0  }
0x20f: {  	v0 =	vld [tilespmem:s23+$0x3800];
	_ =	sdelay $0x4  }
0x210: {  	[tilespmem:s24+$0x1800] =	vst.add.f32.msk $0xffff, v0  }
0x211: {  	v0 =	vld [tilespmem:s23+$0x3810];
	_ =	sdelay $0x4  }
0x212: {  	[tilespmem:s24+$0x1810] =	vst.add.f32.msk $0xffff, v0  }
0x213: {  	v0 =	vld [tilespmem:s23+$0x3820];
	_ =	sdelay $0x4  }
0x214: {  	[tilespmem:s24+$0x1820] =	vst.add.f32.msk $0xffff, v0  }
0x215: {  	v0 =	vld [tilespmem:s23+$0x3830];
	_ =	sdelay $0x4  }
0x216: {  	[tilespmem:s24+$0x1830] =	vst.add.f32.msk $0xffff, v0  }
0x217: {  	v0 =	vld [tilespmem:s23+$0x3840];
	_ =	sdelay $0x4  }
0x218: {  	[tilespmem:s24+$0x1840] =	vst.add.f32.msk $0xffff, v0  }
0x219: {  	v0 =	vld [tilespmem:s23+$0x3850];
	_ =	sdelay $0x4  }
0x21a: {  	[tilespmem:s24+$0x1850] =	vst.add.f32.msk $0xffff, v0  }
0x21b: {  	v0 =	vld [tilespmem:s23+$0x3860];
	_ =	sdelay $0x4  }
0x21c: {  	[tilespmem:s24+$0x1860] =	vst.add.f32.msk $0xffff, v0  }
0x21d: {  	v0 =	vld [tilespmem:s23+$0x3870];
	_ =	sdelay $0x4  }
0x21e: {  	[tilespmem:s24+$0x1870] =	vst.add.f32.msk $0xffff, v0  }
0x21f: {  	v0 =	vld [tilespmem:s23+$0x3C00];
	_ =	sdelay $0x4  }
0x220: {  	[tilespmem:s24+$0x1C00] =	vst.add.f32.msk $0xffff, v0  }
0x221: {  	v0 =	vld [tilespmem:s23+$0x3C10];
	_ =	sdelay $0x4  }
0x222: {  	[tilespmem:s24+$0x1C10] =	vst.add.f32.msk $0xffff, v0  }
0x223: {  	v0 =	vld [tilespmem:s23+$0x3C20];
	_ =	sdelay $0x4  }
0x224: {  	[tilespmem:s24+$0x1C20] =	vst.add.f32.msk $0xffff, v0  }
0x225: {  	v0 =	vld [tilespmem:s23+$0x3C30];
	_ =	sdelay $0x4  }
0x226: {  	[tilespmem:s24+$0x1C30] =	vst.add.f32.msk $0xffff, v0  }
0x227: {  	v0 =	vld [tilespmem:s23+$0x3C40];
	_ =	sdelay $0x4  }
0x228: {  	[tilespmem:s24+$0x1C40] =	vst.add.f32.msk $0xffff, v0  }
0x229: {  	v0 =	vld [tilespmem:s23+$0x3C50];
	_ =	sdelay $0x4  }
0x22a: {  	[tilespmem:s24+$0x1C50] =	vst.add.f32.msk $0xffff, v0  }
0x22b: {  	v0 =	vld [tilespmem:s23+$0x3C60];
	_ =	sdelay $0x4  }
0x22c: {  	s21 =	sadd.s32 $0x1, s21;
	[tilespmem:s24+$0x1C60] =	vst.add.f32.msk $0xffff, v0  }
0x22d: {  	p0 =	sne.s32 s21, $0x4;
	v0 =	vld [tilespmem:s23+$0x3C70]  }
.Ltmp3:
0x22e: {  	_ = 	snop;
	(pc) =	sbr.rel @p0 .LBB2_6-.Ltmp3, $2  }
0x22f: {  	_ =	sdelay $0x2  }
0x230: {  	s22 =	sadd.s32 $0x2000, s22;
	[tilespmem:s24+$0x1C70] =	vst.add.f32.msk $0xffff, v0  }
0x231: {  	[hbm4b:s8+s10] =	stream.strided.scatter [tilespmem:s12], [sflag:$0x6], $0x8000, s11, s10, $0x38;
	[tilespmem:$0x14000] =	vst v63  }
0x232: {  	s20 =	sadd.s32 $0x1, s20  }
0x233: {  	_ =	swait.ge [sflag:s18], $0x8000;
	p0 =	sne.s32 s20, s9  }
.Ltmp4:
0x234: {  	[sflag:s18] =	ssyncset.done $0x0;
	(pc) =	sbr.rel @p0 .LBB2_1-.Ltmp4, $4  }
0x235: {  	[sflag:s18] =	ssyncadd.s32 $0xFFFF8000  }
0x236: {  	_ =	swait.ge [sflag:s19], $0x8000  }
0x237: {  	[sflag:s19] =	ssyncset.done $0x0  }
0x238: {  	[sflag:s19] =	ssyncadd.s32 $0xFFFF8000  }
0x239: {  	_ =	sfence.sel $0x180000  }
0x23a: {  	[bflag:$0x0] =	sbarrier.arrive $0xFFFF  }
0x23b: {  	p0 =	sne.s32 s1, $0x0;
	_ =	strace $0x90000047  }
0x23c: {  	s0 =	sadd.s32 @!p0 $0x100000, s0;
	[bflag:$0x2] =	sbarrier.arrive $0xFFFF  }
0x23d: {  	[sflag:s0] =	ssyncadd.tile.s32 @!p0 $0x1;
	_ =	shalt  }
.Lfunc_end2:
_tile_overlayer_lowered:
.L_overlay_start_2:
0x23e: {  	(tag) =	ssettag $0x2  }
0x23f: {  	s0 =	rddreg [dreg:$0x0];
	s2 =	stileid.u32  }
0x240: {  	s1 =	rddreg [dreg:$0x1];
	p0 =	sne.s32 s2, $0x0  }
0x241: {  	s3 =	rddreg [dreg:$0x2];
	[bflag:$0x3] =	sbarrier.arrive $0xFFFF;
	s2 =	simm.s32 @!p0 $0x1C07  }
0x242: {  	[timem:s3], [sflag:s2] =	dma.local @!p0 [hbm:s0], s1  }
0x243: {  	s0 =	simm.s32 @!p0 $0x7  }
0x244: {  	_ =	swait.ge @!p0 [sflag:s0], s1  }
0x245: {  	s1 =	ssub.s32 @!p0 $0x0, s1;
	[sflag:s0] =	ssyncset.done @!p0 $0x0  }
0x246: {  	[sflag:s0] =	ssyncadd.s32 @!p0 s1  }
0x247: {  	[bflag:$0x3] =	sbarrier.arrive $0xFFFF  }
0x248: {  	_ =	shalt  }

</sc_bundles>
